<compile_context>
chip_gen: v7x
topology: tpu7x:2x2x1
jax: 0.10.2.dev20260603
libtpu: 0.0.44.dev20260713+nightly
codegen_flags: <defaults>
</compile_context>

<pallas_src>
import jax
import jax.numpy as jnp
from jax import lax
from jax.experimental import pallas as pl
from jax.experimental.pallas import tpu as pltpu
from jax.experimental.pallas import tpu_sc as plsc

NC = 2
NS = 16
L = 16
CH = 8
C = 256
HW = 4096
NCH = C // CH
BN = 32


def _vrsqrt(x):
    i = plsc.bitcast(x, jnp.int32)
    i = jnp.int32(0x5F3759DF) - lax.shift_right_logical(i, 1)
    y = plsc.bitcast(i, jnp.float32)
    for _ in range(4):
        y = y * (1.5 - 0.5 * x * y * y)
    return y


def _sc_body(v_hbm, m_hbm, g_hbm, o_hbm, mbuf, vb0, vb1, sbuf, gbuf,
             si0, si1, so0, so1):
    bn = lax.axis_index("s") * NC + lax.axis_index("c")

    pltpu.sync_copy(m_hbm.at[bn], mbuf)
    pltpu.sync_copy(g_hbm, gbuf)
    gv = gbuf[pl.ds(0, L)]
    fgv = jnp.full((L,), gv[0], jnp.float32)
    pgv = jnp.full((L,), gv[1], jnp.float32)
    lane = jnp.arange(L, dtype=jnp.int32)

    def _in(ch, buf, sem):
        pltpu.async_copy(v_hbm.at[bn, pl.ds(ch * CH, CH)], buf, sem)

    def _win(buf, sem):
        pltpu.make_async_copy(v_hbm.at[bn, pl.ds(0, CH)], buf, sem).wait()

    def _out(ch, buf, sem):
        pltpu.async_copy(buf, o_hbm.at[bn, pl.ds(ch * CH, CH)], sem)

    def _wout(buf, sem):
        pltpu.make_async_copy(buf, o_hbm.at[bn, pl.ds(0, CH)], sem).wait()

    def msum(h, acc):
        return acc + mbuf[pl.ds(h * L, L)]

    sm = jnp.sum(lax.fori_loop(0, HW // L, msum, jnp.zeros((L,), jnp.float32)))
    den_v = jnp.maximum(jnp.full((L,), sm, jnp.float32), 1e-6)
    fb_v = den_v <= 1e-5
    use_fb = sm <= 1e-5

    @pl.when(use_fb)
    def _():
        def fill(h, c):
            mbuf[pl.ds(h * L, L)] = jnp.ones((L,), jnp.float32)
            return c
        lax.fori_loop(0, HW // L, fill, 0)

    inv_den = jnp.where(fb_v, jnp.full((L,), 1.0 / HW, jnp.float32),
                        jnp.full((L,), 1.0, jnp.float32) / den_v)

    def _accumulate(buf):
        def acc_body(h, accs):
            sl = pl.ds(h * L, L)
            m16 = mbuf[sl]
            return tuple(accs[r] + buf[r, sl] * m16 for r in range(CH))

        return lax.fori_loop(0, HW // L, acc_body,
                             tuple(jnp.zeros((L,), jnp.float32) for _ in range(CH)))

    _in(0, vb0, si0)

    def p1_pair(jp, c):
        ch0 = jp * 2
        _in(ch0 + 1, vb1, si1)
        _win(vb0, si0)
        a0 = _accumulate(vb0)

        @pl.when(ch0 + 2 < NCH)
        def _():
            _in(ch0 + 2, vb0, si0)

        _win(vb1, si1)
        a1 = _accumulate(vb1)

        @pl.when(ch0 + 3 < NCH)
        def _():
            _in(ch0 + 3, vb1, si1)

        sums = jnp.zeros((L,), jnp.float32)
        for r in range(CH):
            sums = jnp.where(lane == r, jnp.sum(a0[r]), sums)
            sums = jnp.where(lane == CH + r, jnp.sum(a1[r]), sums)
        sbuf[pl.ds(ch0 * CH, L)] = sums * inv_den
        return c

    lax.fori_loop(0, NCH // 2, p1_pair, 0)

    def ss_body(g, acc):
        x = sbuf[pl.ds(g * L, L)]
        return acc + x * x

    ss = jnp.sum(lax.fori_loop(0, C // L, ss_body, jnp.zeros((L,), jnp.float32)))
    t1 = jnp.full((L,), ss, jnp.float32) + 1e-12
    r1 = _vrsqrt(t1)
    ss2 = jnp.full((L,), ss, jnp.float32) * r1 * r1
    r2 = _vrsqrt(ss2 + 1e-12)
    scale = r1 * r2 * pgv

    def scale_body(g, c):
        sl = pl.ds(g * L, L)
        sbuf[sl] = sbuf[sl] * scale
        return c

    lax.fori_loop(0, C // L, scale_body, 0)

    def _compute_out(ch, buf):
        qv = sbuf[pl.ds(ch * CH, L)]
        qs = [jnp.full((L,), qv[r], jnp.float32) for r in range(CH)]

        def o_body(h, c):
            sl = pl.ds(h * L, L)
            for r in range(CH):
                buf[r, sl] = buf[r, sl] * fgv + qs[r]
            return c

        lax.fori_loop(0, HW // L, o_body, 0)

    _in(0, vb0, si0)

    def p2_pair(jp, c):
        ch0 = jp * 2
        _in(ch0 + 1, vb1, si1)
        _win(vb0, si0)
        _compute_out(ch0, vb0)
        _out(ch0, vb0, so0)
        _win(vb1, si1)
        _compute_out(ch0 + 1, vb1)
        _out(ch0 + 1, vb1, so1)

        @pl.when(ch0 + 2 < NCH)
        def _():
            _wout(vb0, so0)
            _in(ch0 + 2, vb0, si0)
            _wout(vb1, so1)
            _in(ch0 + 3, vb1, si1)

        return c

    lax.fori_loop(0, NCH // 2, p2_pair, 0)
    _wout(vb0, so0)
    _wout(vb1, so1)


def kernel(value_BNCHW, frame_feat_BCHW, mask_BNHW, proto_gate, frame_gate):
    B, N, Cd, H, W = value_BNCHW.shape
    v = value_BNCHW.reshape(BN, Cd, H * W)
    m = mask_BNHW.astype(jnp.float32).reshape(BN, H * W)
    g = jnp.zeros((L,), jnp.float32)
    g = g.at[0].set(jnp.asarray(frame_gate, jnp.float32))
    g = g.at[1].set(jnp.asarray(proto_gate, jnp.float32))

    mesh = plsc.VectorSubcoreMesh(core_axis_name="c", subcore_axis_name="s")
    out = pl.kernel(
        _sc_body,
        out_type=jax.ShapeDtypeStruct((BN, Cd, H * W), jnp.float32),
        mesh=mesh,
        compiler_params=pltpu.CompilerParams(needs_layout_passes=False),
        scratch_types=[
            pltpu.VMEM((HW,), jnp.float32),
            pltpu.VMEM((CH, HW), jnp.float32),
            pltpu.VMEM((CH, HW), jnp.float32),
            pltpu.VMEM((C + L,), jnp.float32),
            pltpu.VMEM((L,), jnp.float32),
            pltpu.SemaphoreType.DMA,
            pltpu.SemaphoreType.DMA,
            pltpu.SemaphoreType.DMA,
            pltpu.SemaphoreType.DMA,
        ],
    )(v, m, g)
    return out.reshape(B, N, Cd, H, W)

# --- scband reference (transcript-rebuilt; emitter-appended) ---
"""Pipeline reference for scband-bandit-prototype-manager-88115549045394 (READ-ONLY COPY).

The authoritative reference and input builder live on the scoring server;
editing this copy changes nothing except your own understanding.
"""

import jax, jax.numpy as jnp
import numpy as np

BANK_SIZE = 8
PROTO_ALPHA = 0.1
TEMP = 1.0
TH_HI = 0.8
TH_LO = 0.3
A_KEEP, A_REFINE, A_REPLACE, A_SPAWN = 0, 1, 2, 3


def l2norm(x, axis=-1, eps=1e-12):
    return x * jax.lax.rsqrt(jnp.sum(x * x, axis=axis, keepdims=True) + eps)


def setup_inputs(seed: int = 0):
    key = jax.random.key(seed)
    k1, k2, k3 = jax.random.split(key, 3)
    return {
        'value_BNCHW': jax.random.normal(k1, (2, 16, 256, 64, 64), dtype=jnp.float32),
        'frame_feat_BCHW': jax.random.normal(k2, (2, 256, 64, 64), dtype=jnp.float32),
        'mask_BNHW': jax.random.uniform(k3, (2, 16, 64, 64), dtype=jnp.float32),
        'proto_gate': jnp.asarray(1.0, dtype=jnp.float32),
        'frame_gate': jnp.asarray(1.0, dtype=jnp.float32),
    }


def _forward(value_BNCHW, frame_feat_BCHW, mask_BNHW, proto_gate, frame_gate):
    B, N, C, H, W = value_BNCHW.shape
    K = BANK_SIZE
    dt = value_BNCHW.dtype
    # fresh bank state (module resets when _state is None / shape mismatch)
    proto = jnp.zeros((B, N, K, C), dtype=dt)
    age = jnp.zeros((B, N, K), dtype=dt)
    usage = jnp.zeros((B, N, K), dtype=dt)
    conf = jnp.zeros((B, N, K), dtype=dt)
    valid = jnp.zeros((B, N, K), dtype=bool)
    # candidate prototype via mask pooling (mask already at feature HW)
    flat_value = value_BNCHW.reshape(B, N, C, H * W)
    flat_mask = mask_BNHW.reshape(B, N, 1, H * W)
    denom = jnp.clip(jnp.sum(flat_mask, axis=-1), 1e-6, None)
    cand = jnp.sum(flat_value * flat_mask, axis=-1) / denom
    mask_strength = jnp.mean(flat_mask, axis=-1)[:, :, 0]
    fallback = jnp.mean(flat_value, axis=-1)
    use_fb = denom[:, :, 0] <= 1e-5
    cand = jnp.where(use_fb[..., None], fallback, cand)
    cand = l2norm(cand)
    # similarity / context
    norm_bank = l2norm(proto)
    sim = jnp.sum(cand[:, :, None, :] * norm_bank, axis=-1)
    sim = jnp.where(valid, sim, -1.0)
    any_valid = jnp.any(valid, axis=-1)
    g_t = jnp.mean(frame_feat_BCHW, axis=(2, 3))
    g_t_BNC = jnp.broadcast_to(g_t[:, None, :], (B, N, C))
    bank_stats = jnp.stack([age / jnp.clip(jnp.max(age), 1.0, None), usage / jnp.clip(jnp.max(usage), 1.0, None), conf], axis=-1)
    context = jnp.concatenate([g_t_BNC, sim, bank_stats.reshape(B, N, K * 3)], axis=-1)  # built as in torch; unused for rule policy
    target_slot = jnp.where(any_valid, jnp.argmax(sim, axis=-1), 0)
    max_sim = jnp.take_along_axis(sim, target_slot[..., None], axis=-1)[..., 0]
    max_sim = jnp.where(any_valid, max_sim, 0.0)
    # rule-based action
    has_free = jnp.any(~valid, axis=-1)
    action = jnp.full((B, N), A_REFINE, dtype=jnp.int32)
    action = jnp.where(max_sim > TH_HI, A_KEEP, action)
    action = jnp.where((max_sim <= TH_HI) & (max_sim >= TH_LO), A_REFINE, action)
    low = max_sim < TH_LO
    action = jnp.where(low & has_free, A_SPAWN, action)
    action = jnp.where(low & (~has_free), A_REPLACE, action)
    # slot selection
    invalid_bonus = (~valid).astype(dt) * 1000.0
    worst = jnp.argmax(age - usage - conf + invalid_bonus, axis=-1)
    first_free = jnp.argmax((~valid).astype(jnp.int32), axis=-1)
    slot = jnp.where(action == A_SPAWN, first_free, jnp.where(action == A_REPLACE, worst, target_slot))
    # scatter state update into prototype memory
    bn = B * N
    flat = jnp.arange(bn)
    proto_f = proto.reshape(bn, K, C)
    slot_f = slot.reshape(bn)
    act_f = action.reshape(bn)
    old = proto_f[flat, slot_f]
    refined = l2norm((1.0 - PROTO_ALPHA) * old + PROTO_ALPHA * cand.reshape(bn, C))
    write_val = jnp.where((act_f == A_REFINE)[:, None], refined, cand.reshape(bn, C))
    do_write = act_f != A_KEEP
    new_slot = jnp.where(do_write[:, None], write_val, old)
    proto_new = proto_f.at[flat, slot_f].set(new_slot).reshape(B, N, K, C)
    valid_f = valid.reshape(bn, K)
    valid_new = valid_f.at[flat, slot_f].set(valid_f[flat, slot_f] | do_write).reshape(B, N, K)
    conf_f = conf.reshape(bn, K)
    conf_new = conf_f.at[flat, slot_f].set(jnp.where(do_write, mask_strength.reshape(bn), conf_f[flat, slot_f])).reshape(B, N, K)
    # prototype-conditioned dense readout (add fusion)
    nb = l2norm(proto_new)
    logits = jnp.einsum('bnkc,bnchw->bnkhw', nb, value_BNCHW) / TEMP
    logits = jnp.where(valid_new[:, :, :, None, None], logits, -1e4)
    attn = jax.nn.softmax(logits, axis=2)
    read = jnp.einsum('bnkhw,bnkc->bnchw', attn, nb)
    conditioned = frame_gate * value_BNCHW + proto_gate * read
    return conditioned


def reference(value_BNCHW, frame_feat_BCHW, mask_BNHW, proto_gate, frame_gate):
    return _forward(value_BNCHW, frame_feat_BCHW, mask_BNHW, proto_gate, frame_gate)

if __name__ == "__main__":
    import jax
    _d = setup_inputs()
    print(jax.jit(kernel)(*tuple(_d.values())))

</pallas_src>

<mosaic_0001>
#map = affine_map<(d0, d1) -> (0, 0, 0)>
#map1 = affine_map<(d0, d1) -> (0, 0)>
#map2 = affine_map<(d0, d1) -> (0)>
module attributes {stable_mosaic.version = 14 : i64} {
  func.func @_sc_body(%arg0: i32, %arg1: i32, %arg2: memref<32x256x4096xf32, #tpu.memory_space<hbm>>, %arg3: memref<32x4096xf32, #tpu.memory_space<hbm>>, %arg4: memref<16xf32, #tpu.memory_space<hbm>>, %arg5: memref<32x256x4096xf32, #tpu.memory_space<hbm>>, %arg6: memref<4096xf32, #tpu.memory_space<vmem>>, %arg7: memref<8x4096xf32, #tpu.memory_space<vmem>>, %arg8: memref<8x4096xf32, #tpu.memory_space<vmem>>, %arg9: memref<272xf32, #tpu.memory_space<vmem>>, %arg10: memref<16xf32, #tpu.memory_space<vmem>>, %arg11: memref<!tpu.dma_semaphore, #tpu.memory_space<semaphore_mem>>, %arg12: memref<!tpu.dma_semaphore, #tpu.memory_space<semaphore_mem>>, %arg13: memref<!tpu.dma_semaphore, #tpu.memory_space<semaphore_mem>>, %arg14: memref<!tpu.dma_semaphore, #tpu.memory_space<semaphore_mem>>) attributes {dimension_semantics = [#tpu.dimension_semantics<core_parallel>, #tpu.dimension_semantics<subcore_parallel>], iteration_bounds = array<i64: 2, 16>, scalar_prefetch = 0 : i64, scratch_operands = 9 : i64, tpu.core_type = #tpu.core_type<sc_vector_subcore>, window_params = [{transform_indices = #map}, {transform_indices = #map1}, {transform_indices = #map2}, {transform_indices = #map}]} {
    %mul3A = arith.constant 2 : i32
    %mul3A_0 = arith.muli %arg1, %mul3A : i32
    %add3A = arith.addi %mul3A_0, %arg0 : i32
    "tpu.region"() ({
      %run_scoped3A = tpu.sem_alloc : memref<!tpu.dma_semaphore, #tpu.memory_space<semaphore_mem>>
      %dma_start3A_184 = arith.constant 0 : i32
      %dma_start3A_185 = tpu.memref_slice %arg3[%add3A, %dma_start3A_184] : memref<32x4096xf32, #tpu.memory_space<hbm>> -> memref<1x4096xf32, #tpu.memory_space<hbm>>
      %dma_start3A_186 = tpu.memref_squeeze %dma_start3A_185 : memref<1x4096xf32, #tpu.memory_space<hbm>> -> memref<4096xf32, #tpu.memory_space<hbm>>
      %dma_start3A_187 = arith.constant 0 : i32
      %dma_start3A_188 = tpu.memref_slice %arg3[%add3A, %dma_start3A_187] : memref<32x4096xf32, #tpu.memory_space<hbm>> -> memref<1x4096xf32, #tpu.memory_space<hbm>>
      %dma_start3A_189 = tpu.memref_squeeze %dma_start3A_188 : memref<1x4096xf32, #tpu.memory_space<hbm>> -> memref<4096xf32, #tpu.memory_space<hbm>>
      tpu.enqueue_dma source(%dma_start3A_189 : memref<4096xf32, #tpu.memory_space<hbm>>) target(%arg6 : memref<4096xf32, #tpu.memory_space<vmem>>) target_semaphore(%run_scoped3A : memref<!tpu.dma_semaphore, #tpu.memory_space<semaphore_mem>>)
      %dma_wait3A_190 = arith.constant 0 : i32
      %dma_wait3A_191 = tpu.memref_slice %arg3[%add3A, %dma_wait3A_190] : memref<32x4096xf32, #tpu.memory_space<hbm>> -> memref<1x4096xf32, #tpu.memory_space<hbm>>
      %dma_wait3A_192 = tpu.memref_squeeze %dma_wait3A_191 : memref<1x4096xf32, #tpu.memory_space<hbm>> -> memref<4096xf32, #tpu.memory_space<hbm>>
      %dma_wait3A_193 = arith.constant 0 : i32
      %dma_wait3A_194 = tpu.memref_slice %arg3[%add3A, %dma_wait3A_193] : memref<32x4096xf32, #tpu.memory_space<hbm>> -> memref<1x4096xf32, #tpu.memory_space<hbm>>
      %dma_wait3A_195 = tpu.memref_squeeze %dma_wait3A_194 : memref<1x4096xf32, #tpu.memory_space<hbm>> -> memref<4096xf32, #tpu.memory_space<hbm>>
      tpu.wait_dma2 semaphore(%run_scoped3A : memref<!tpu.dma_semaphore, #tpu.memory_space<semaphore_mem>>) src(%dma_wait3A_195 : memref<4096xf32, #tpu.memory_space<hbm>>) dst(%arg6 : memref<4096xf32, #tpu.memory_space<vmem>>)
      tpu.yield
    }) : () -> ()
    "tpu.region"() ({
      %run_scoped3A = tpu.sem_alloc : memref<!tpu.dma_semaphore, #tpu.memory_space<semaphore_mem>>
      tpu.enqueue_dma source(%arg4 : memref<16xf32, #tpu.memory_space<hbm>>) target(%arg10 : memref<16xf32, #tpu.memory_space<vmem>>) target_semaphore(%run_scoped3A : memref<!tpu.dma_semaphore, #tpu.memory_space<semaphore_mem>>)
      tpu.wait_dma2 semaphore(%run_scoped3A : memref<!tpu.dma_semaphore, #tpu.memory_space<semaphore_mem>>) src(%arg4 : memref<16xf32, #tpu.memory_space<hbm>>) dst(%arg10 : memref<16xf32, #tpu.memory_space<vmem>>)
      tpu.yield
    }) : () -> ()
    %get3A = arith.constant 0 : index
    %get3A_1 = tpu.vector_load %arg10[%get3A] {strides = array<i32>} : memref<16xf32, #tpu.memory_space<vmem>>, vector<16xf32>,
    %slice3A = vector.extract_strided_slice %get3A_1 {offsets = [0], sizes = [1], strides = [1]} : vector<16xf32> to vector<1xf32>
    %squeeze3A = vector.extract %slice3A[0] : f32 from vector<1xf32>
    %broadcast_in_dim3A = vector.broadcast %squeeze3A : f32 to vector<16xf32>
    %slice3A_2 = vector.extract_strided_slice %get3A_1 {offsets = [1], sizes = [1], strides = [1]} : vector<16xf32> to vector<1xf32>
    %squeeze3A_3 = vector.extract %slice3A_2[0] : f32 from vector<1xf32>
    %broadcast_in_dim3A_4 = vector.broadcast %squeeze3A_3 : f32 to vector<16xf32>
    %iota3A = tpu.iota {dimensions = array<i32: 0>} : vector<16xi32>
    %broadcast_in_dim3A_5 = arith.constant 0.000000e+00 : f32
    %broadcast_in_dim3A_6 = vector.broadcast %broadcast_in_dim3A_5 : f32 to vector<16xf32>
    %scan3A = arith.constant 0 : i32
    %scan3A_7 = arith.constant 256 : i32
    %scan3A_8 = arith.addi %scan3A, %scan3A_7 : i32
    %scan3A_9 = arith.constant 1 : i32
    %scan3A_10 = scf.for %scan3A_184 = %scan3A to %scan3A_8 step %scan3A_9 iter_args(%scan3A_185 = %broadcast_in_dim3A_6) -> (vector<16xf32>)  : i32 {
      %mul3A_186 = arith.constant 16 : i32
      %mul3A_187 = arith.muli %scan3A_184, %mul3A_186 : i32
      %get3A_188 = arith.index_cast %mul3A_187 : i32 to index
      %get3A_189 = tpu.vector_load %arg6[%get3A_188] {strides = array<i32>} : memref<4096xf32, #tpu.memory_space<vmem>>, vector<16xf32>,
      %add3A_190 = arith.addf %scan3A_185, %get3A_189 : vector<16xf32>
      scf.yield %add3A_190 : vector<16xf32>
    }
    %scan3A_11 = arith.constant 256 : i32
    %reduce_sum3A = arith.constant true
    %reduce_sum3A_12 = vector.broadcast %reduce_sum3A : i1 to vector<16xi1>
    %reduce_sum3A_13 = tpu.scan <sum>, %scan3A_10 masked %reduce_sum3A_12 : vector<16xf32>, vector<16xi1> -> vector<16xf32>
    %reduce_sum3A_14 = vector.extract %reduce_sum3A_13[15] : f32 from vector<16xf32>
    %broadcast_in_dim3A_15 = vector.broadcast %reduce_sum3A_14 : f32 to vector<16xf32>
    %max3A = arith.constant 9.99999997E-7 : f32
    %max3A_16 = vector.broadcast %max3A : f32 to vector<16xf32>
    %max3A_17 = arith.maximumf %broadcast_in_dim3A_15, %max3A_16 : vector<16xf32>
    %le3A = arith.constant 9.99999974E-6 : f32
    %le3A_18 = vector.broadcast %le3A : f32 to vector<16xf32>
    %le3A_19 = arith.cmpf ole, %max3A_17, %le3A_18 : vector<16xf32>
    %le3A_20 = arith.constant 9.99999974E-6 : f32
    %le3A_21 = arith.cmpf ole, %reduce_sum3A_14, %le3A_20 : f32
    %convert_element_type3A = arith.extui %le3A_21 : i1 to i32
    %cond3A = arith.constant 0 : i32
    %cond3A_22 = arith.cmpi ne, %convert_element_type3A, %cond3A : i32
    scf.if %cond3A_22 {
      %scan3A_184 = arith.constant 0 : i32
      %scan3A_185 = arith.constant 0 : i32
      %scan3A_186 = arith.constant 256 : i32
      %scan3A_187 = arith.addi %scan3A_185, %scan3A_186 : i32
      %scan3A_188 = arith.constant 1 : i32
      scf.for %scan3A_190 = %scan3A_185 to %scan3A_187 step %scan3A_188  : i32 {
        %broadcast_in_dim3A_191 = arith.constant 1.000000e+00 : f32
        %broadcast_in_dim3A_192 = vector.broadcast %broadcast_in_dim3A_191 : f32 to vector<16xf32>
        %mul3A_193 = arith.constant 16 : i32
        %mul3A_194 = arith.muli %scan3A_190, %mul3A_193 : i32
        %swap3A = arith.index_cast %mul3A_194 : i32 to index
        %swap3A_195 = tpu.vector_load %arg6[%swap3A] {strides = array<i32>} : memref<4096xf32, #tpu.memory_space<vmem>>, vector<16xf32>,
        tpu.vector_store %arg6[%swap3A], %broadcast_in_dim3A_192 {strides = array<i32>} : memref<4096xf32, #tpu.memory_space<vmem>>, vector<16xf32>,
      }
      %scan3A_189 = arith.constant 256 : i32
    } else {
    }
    %broadcast_in_dim3A_23 = arith.constant 2.44140625E-4 : f32
    %broadcast_in_dim3A_24 = vector.broadcast %broadcast_in_dim3A_23 : f32 to vector<16xf32>
    %broadcast_in_dim3A_25 = arith.constant 1.000000e+00 : f32
    %broadcast_in_dim3A_26 = vector.broadcast %broadcast_in_dim3A_25 : f32 to vector<16xf32>
    %div3A = arith.divf %broadcast_in_dim3A_26, %max3A_17 : vector<16xf32>
    %select_n3A = arith.select %le3A_19, %broadcast_in_dim3A_24, %div3A : vector<16xi1>, vector<16xf32>
    %dma_start3A = arith.constant 0 : i32
    %dma_start3A_27 = arith.constant 0 : i32
    %dma_start3A_28 = tpu.memref_slice %arg2[%add3A, %dma_start3A, %dma_start3A_27] : memref<32x256x4096xf32, #tpu.memory_space<hbm>> -> memref<1x8x4096xf32, #tpu.memory_space<hbm>>
    %dma_start3A_29 = tpu.memref_squeeze %dma_start3A_28 : memref<1x8x4096xf32, #tpu.memory_space<hbm>> -> memref<8x4096xf32, #tpu.memory_space<hbm>>
    %dma_start3A_30 = arith.constant 0 : i32
    %dma_start3A_31 = arith.constant 0 : i32
    %dma_start3A_32 = tpu.memref_slice %arg2[%add3A, %dma_start3A_30, %dma_start3A_31] : memref<32x256x4096xf32, #tpu.memory_space<hbm>> -> memref<1x8x4096xf32, #tpu.memory_space<hbm>>
    %dma_start3A_33 = tpu.memref_squeeze %dma_start3A_32 : memref<1x8x4096xf32, #tpu.memory_space<hbm>> -> memref<8x4096xf32, #tpu.memory_space<hbm>>
    tpu.enqueue_dma source(%dma_start3A_33 : memref<8x4096xf32, #tpu.memory_space<hbm>>) target(%arg7 : memref<8x4096xf32, #tpu.memory_space<vmem>>) target_semaphore(%arg11 : memref<!tpu.dma_semaphore, #tpu.memory_space<semaphore_mem>>)
    %scan3A_34 = arith.constant 0 : i32
    %scan3A_35 = arith.constant 0 : i32
    %scan3A_36 = arith.constant 16 : i32
    %scan3A_37 = arith.addi %scan3A_35, %scan3A_36 : i32
    %scan3A_38 = arith.constant 1 : i32
    scf.for %scan3A_184 = %scan3A_35 to %scan3A_37 step %scan3A_38  : i32 {
      %mul3A_185 = arith.constant 2 : i32
      %mul3A_186 = arith.muli %scan3A_184, %mul3A_185 : i32
      %add3A_187 = arith.constant 1 : i32
      %add3A_188 = arith.addi %mul3A_186, %add3A_187 : i32
      %mul3A_189 = arith.constant 8 : i32
      %mul3A_190 = arith.muli %add3A_188, %mul3A_189 : i32
      %dma_start3A_191 = arith.constant 0 : i32
      %dma_start3A_192 = tpu.memref_slice %arg2[%add3A, %mul3A_190, %dma_start3A_191] : memref<32x256x4096xf32, #tpu.memory_space<hbm>> -> memref<1x8x4096xf32, #tpu.memory_space<hbm>>
      %dma_start3A_193 = tpu.memref_squeeze %dma_start3A_192 : memref<1x8x4096xf32, #tpu.memory_space<hbm>> -> memref<8x4096xf32, #tpu.memory_space<hbm>>
      %dma_start3A_194 = arith.constant 0 : i32
      %dma_start3A_195 = tpu.memref_slice %arg2[%add3A, %mul3A_190, %dma_start3A_194] : memref<32x256x4096xf32, #tpu.memory_space<hbm>> -> memref<1x8x4096xf32, #tpu.memory_space<hbm>>
      %dma_start3A_196 = tpu.memref_squeeze %dma_start3A_195 : memref<1x8x4096xf32, #tpu.memory_space<hbm>> -> memref<8x4096xf32, #tpu.memory_space<hbm>>
      tpu.enqueue_dma source(%dma_start3A_196 : memref<8x4096xf32, #tpu.memory_space<hbm>>) target(%arg8 : memref<8x4096xf32, #tpu.memory_space<vmem>>) target_semaphore(%arg12 : memref<!tpu.dma_semaphore, #tpu.memory_space<semaphore_mem>>)
      %dma_wait3A_197 = arith.constant 0 : i32
      %dma_wait3A_198 = arith.constant 0 : i32
      %dma_wait3A_199 = tpu.memref_slice %arg2[%add3A, %dma_wait3A_197, %dma_wait3A_198] : memref<32x256x4096xf32, #tpu.memory_space<hbm>> -> memref<1x8x4096xf32, #tpu.memory_space<hbm>>
      %dma_wait3A_200 = tpu.memref_squeeze %dma_wait3A_199 : memref<1x8x4096xf32, #tpu.memory_space<hbm>> -> memref<8x4096xf32, #tpu.memory_space<hbm>>
      %dma_wait3A_201 = arith.constant 0 : i32
      %dma_wait3A_202 = arith.constant 0 : i32
      %dma_wait3A_203 = tpu.memref_slice %arg2[%add3A, %dma_wait3A_201, %dma_wait3A_202] : memref<32x256x4096xf32, #tpu.memory_space<hbm>> -> memref<1x8x4096xf32, #tpu.memory_space<hbm>>
      %dma_wait3A_204 = tpu.memref_squeeze %dma_wait3A_203 : memref<1x8x4096xf32, #tpu.memory_space<hbm>> -> memref<8x4096xf32, #tpu.memory_space<hbm>>
      tpu.wait_dma2 semaphore(%arg11 : memref<!tpu.dma_semaphore, #tpu.memory_space<semaphore_mem>>) src(%dma_wait3A_204 : memref<8x4096xf32, #tpu.memory_space<hbm>>) dst(%arg7 : memref<8x4096xf32, #tpu.memory_space<vmem>>)
      %broadcast_in_dim3A_205 = arith.constant 0.000000e+00 : f32
      %broadcast_in_dim3A_206 = vector.broadcast %broadcast_in_dim3A_205 : f32 to vector<16xf32>
      %broadcast_in_dim3A_207 = arith.constant 0.000000e+00 : f32
      %broadcast_in_dim3A_208 = vector.broadcast %broadcast_in_dim3A_207 : f32 to vector<16xf32>
      %broadcast_in_dim3A_209 = arith.constant 0.000000e+00 : f32
      %broadcast_in_dim3A_210 = vector.broadcast %broadcast_in_dim3A_209 : f32 to vector<16xf32>
      %broadcast_in_dim3A_211 = arith.constant 0.000000e+00 : f32
      %broadcast_in_dim3A_212 = vector.broadcast %broadcast_in_dim3A_211 : f32 to vector<16xf32>
      %broadcast_in_dim3A_213 = arith.constant 0.000000e+00 : f32
      %broadcast_in_dim3A_214 = vector.broadcast %broadcast_in_dim3A_213 : f32 to vector<16xf32>
      %broadcast_in_dim3A_215 = arith.constant 0.000000e+00 : f32
      %broadcast_in_dim3A_216 = vector.broadcast %broadcast_in_dim3A_215 : f32 to vector<16xf32>
      %broadcast_in_dim3A_217 = arith.constant 0.000000e+00 : f32
      %broadcast_in_dim3A_218 = vector.broadcast %broadcast_in_dim3A_217 : f32 to vector<16xf32>
      %broadcast_in_dim3A_219 = arith.constant 0.000000e+00 : f32
      %broadcast_in_dim3A_220 = vector.broadcast %broadcast_in_dim3A_219 : f32 to vector<16xf32>
      %scan3A_221 = arith.constant 0 : i32
      %scan3A_222 = arith.constant 256 : i32
      %scan3A_223 = arith.addi %scan3A_221, %scan3A_222 : i32
      %scan3A_224 = arith.constant 1 : i32
      %scan3A_225:8 = scf.for %scan3A_419 = %scan3A_221 to %scan3A_223 step %scan3A_224 iter_args(%scan3A_420 = %broadcast_in_dim3A_206, %scan3A_421 = %broadcast_in_dim3A_208, %scan3A_422 = %broadcast_in_dim3A_210, %scan3A_423 = %broadcast_in_dim3A_212, %scan3A_424 = %broadcast_in_dim3A_214, %scan3A_425 = %broadcast_in_dim3A_216, %scan3A_426 = %broadcast_in_dim3A_218, %scan3A_427 = %broadcast_in_dim3A_220) -> (vector<16xf32>, vector<16xf32>, vector<16xf32>, vector<16xf32>, vector<16xf32>, vector<16xf32>, vector<16xf32>, vector<16xf32>)  : i32 {
        %mul3A_428 = arith.constant 16 : i32
        %mul3A_429 = arith.muli %scan3A_419, %mul3A_428 : i32
        %get3A_430 = arith.index_cast %mul3A_429 : i32 to index
        %get3A_431 = tpu.vector_load %arg6[%get3A_430] {strides = array<i32>} : memref<4096xf32, #tpu.memory_space<vmem>>, vector<16xf32>,
        %get3A_432 = arith.constant 0 : i32
        %get3A_433 = arith.index_cast %get3A_432 : i32 to index
        %get3A_434 = arith.index_cast %mul3A_429 : i32 to index
        %get3A_435 = tpu.vector_load %arg7[%get3A_433, %get3A_434] {strides = array<i32>} : memref<8x4096xf32, #tpu.memory_space<vmem>>, vector<16xf32>,
        %mul3A_436 = arith.mulf %get3A_435, %get3A_431 : vector<16xf32>
        %add3A_437 = arith.addf %scan3A_420, %mul3A_436 : vector<16xf32>
        %get3A_438 = arith.constant 1 : i32
        %get3A_439 = arith.index_cast %get3A_438 : i32 to index
        %get3A_440 = arith.index_cast %mul3A_429 : i32 to index
        %get3A_441 = tpu.vector_load %arg7[%get3A_439, %get3A_440] {strides = array<i32>} : memref<8x4096xf32, #tpu.memory_space<vmem>>, vector<16xf32>,
        %mul3A_442 = arith.mulf %get3A_441, %get3A_431 : vector<16xf32>
        %add3A_443 = arith.addf %scan3A_421, %mul3A_442 : vector<16xf32>
        %get3A_444 = arith.constant 2 : i32
        %get3A_445 = arith.index_cast %get3A_444 : i32 to index
        %get3A_446 = arith.index_cast %mul3A_429 : i32 to index
        %get3A_447 = tpu.vector_load %arg7[%get3A_445, %get3A_446] {strides = array<i32>} : memref<8x4096xf32, #tpu.memory_space<vmem>>, vector<16xf32>,
        %mul3A_448 = arith.mulf %get3A_447, %get3A_431 : vector<16xf32>
        %add3A_449 = arith.addf %scan3A_422, %mul3A_448 : vector<16xf32>
        %get3A_450 = arith.constant 3 : i32
        %get3A_451 = arith.index_cast %get3A_450 : i32 to index
        %get3A_452 = arith.index_cast %mul3A_429 : i32 to index
        %get3A_453 = tpu.vector_load %arg7[%get3A_451, %get3A_452] {strides = array<i32>} : memref<8x4096xf32, #tpu.memory_space<vmem>>, vector<16xf32>,
        %mul3A_454 = arith.mulf %get3A_453, %get3A_431 : vector<16xf32>
        %add3A_455 = arith.addf %scan3A_423, %mul3A_454 : vector<16xf32>
        %get3A_456 = arith.constant 4 : i32
        %get3A_457 = arith.index_cast %get3A_456 : i32 to index
        %get3A_458 = arith.index_cast %mul3A_429 : i32 to index
        %get3A_459 = tpu.vector_load %arg7[%get3A_457, %get3A_458] {strides = array<i32>} : memref<8x4096xf32, #tpu.memory_space<vmem>>, vector<16xf32>,
        %mul3A_460 = arith.mulf %get3A_459, %get3A_431 : vector<16xf32>
        %add3A_461 = arith.addf %scan3A_424, %mul3A_460 : vector<16xf32>
        %get3A_462 = arith.constant 5 : i32
        %get3A_463 = arith.index_cast %get3A_462 : i32 to index
        %get3A_464 = arith.index_cast %mul3A_429 : i32 to index
        %get3A_465 = tpu.vector_load %arg7[%get3A_463, %get3A_464] {strides = array<i32>} : memref<8x4096xf32, #tpu.memory_space<vmem>>, vector<16xf32>,
        %mul3A_466 = arith.mulf %get3A_465, %get3A_431 : vector<16xf32>
        %add3A_467 = arith.addf %scan3A_425, %mul3A_466 : vector<16xf32>
        %get3A_468 = arith.constant 6 : i32
        %get3A_469 = arith.index_cast %get3A_468 : i32 to index
        %get3A_470 = arith.index_cast %mul3A_429 : i32 to index
        %get3A_471 = tpu.vector_load %arg7[%get3A_469, %get3A_470] {strides = array<i32>} : memref<8x4096xf32, #tpu.memory_space<vmem>>, vector<16xf32>,
        %mul3A_472 = arith.mulf %get3A_471, %get3A_431 : vector<16xf32>
        %add3A_473 = arith.addf %scan3A_426, %mul3A_472 : vector<16xf32>
        %get3A_474 = arith.constant 7 : i32
        %get3A_475 = arith.index_cast %get3A_474 : i32 to index
        %get3A_476 = arith.index_cast %mul3A_429 : i32 to index
        %get3A_477 = tpu.vector_load %arg7[%get3A_475, %get3A_476] {strides = array<i32>} : memref<8x4096xf32, #tpu.memory_space<vmem>>, vector<16xf32>,
        %mul3A_478 = arith.mulf %get3A_477, %get3A_431 : vector<16xf32>
        %add3A_479 = arith.addf %scan3A_427, %mul3A_478 : vector<16xf32>
        scf.yield %add3A_437, %add3A_443, %add3A_449, %add3A_455, %add3A_461, %add3A_467, %add3A_473, %add3A_479 : vector<16xf32>, vector<16xf32>, vector<16xf32>, vector<16xf32>, vector<16xf32>, vector<16xf32>, vector<16xf32>, vector<16xf32>
      }
      %scan3A_226 = arith.constant 256 : i32
      %add3A_227 = arith.constant 2 : i32
      %add3A_228 = arith.addi %mul3A_186, %add3A_227 : i32
      %lt3A = arith.constant 32 : i32
      %lt3A_229 = arith.cmpi slt, %add3A_228, %lt3A : i32
      %convert_element_type3A_230 = arith.extui %lt3A_229 : i1 to i32
      %cond3A_231 = arith.constant 0 : i32
      %cond3A_232 = arith.cmpi ne, %convert_element_type3A_230, %cond3A_231 : i32
      scf.if %cond3A_232 {
        %add3A_419 = arith.constant 2 : i32
        %add3A_420 = arith.addi %mul3A_186, %add3A_419 : i32
        %mul3A_421 = arith.constant 8 : i32
        %mul3A_422 = arith.muli %add3A_420, %mul3A_421 : i32
        %dma_start3A_423 = arith.constant 0 : i32
        %dma_start3A_424 = tpu.memref_slice %arg2[%add3A, %mul3A_422, %dma_start3A_423] : memref<32x256x4096xf32, #tpu.memory_space<hbm>> -> memref<1x8x4096xf32, #tpu.memory_space<hbm>>
        %dma_start3A_425 = tpu.memref_squeeze %dma_start3A_424 : memref<1x8x4096xf32, #tpu.memory_space<hbm>> -> memref<8x4096xf32, #tpu.memory_space<hbm>>
        %dma_start3A_426 = arith.constant 0 : i32
        %dma_start3A_427 = tpu.memref_slice %arg2[%add3A, %mul3A_422, %dma_start3A_426] : memref<32x256x4096xf32, #tpu.memory_space<hbm>> -> memref<1x8x4096xf32, #tpu.memory_space<hbm>>
        %dma_start3A_428 = tpu.memref_squeeze %dma_start3A_427 : memref<1x8x4096xf32, #tpu.memory_space<hbm>> -> memref<8x4096xf32, #tpu.memory_space<hbm>>
        tpu.enqueue_dma source(%dma_start3A_428 : memref<8x4096xf32, #tpu.memory_space<hbm>>) target(%arg7 : memref<8x4096xf32, #tpu.memory_space<vmem>>) target_semaphore(%arg11 : memref<!tpu.dma_semaphore, #tpu.memory_space<semaphore_mem>>)
      } else {
      }
      %dma_wait3A_233 = arith.constant 0 : i32
      %dma_wait3A_234 = arith.constant 0 : i32
      %dma_wait3A_235 = tpu.memref_slice %arg2[%add3A, %dma_wait3A_233, %dma_wait3A_234] : memref<32x256x4096xf32, #tpu.memory_space<hbm>> -> memref<1x8x4096xf32, #tpu.memory_space<hbm>>
      %dma_wait3A_236 = tpu.memref_squeeze %dma_wait3A_235 : memref<1x8x4096xf32, #tpu.memory_space<hbm>> -> memref<8x4096xf32, #tpu.memory_space<hbm>>
      %dma_wait3A_237 = arith.constant 0 : i32
      %dma_wait3A_238 = arith.constant 0 : i32
      %dma_wait3A_239 = tpu.memref_slice %arg2[%add3A, %dma_wait3A_237, %dma_wait3A_238] : memref<32x256x4096xf32, #tpu.memory_space<hbm>> -> memref<1x8x4096xf32, #tpu.memory_space<hbm>>
      %dma_wait3A_240 = tpu.memref_squeeze %dma_wait3A_239 : memref<1x8x4096xf32, #tpu.memory_space<hbm>> -> memref<8x4096xf32, #tpu.memory_space<hbm>>
      tpu.wait_dma2 semaphore(%arg12 : memref<!tpu.dma_semaphore, #tpu.memory_space<semaphore_mem>>) src(%dma_wait3A_240 : memref<8x4096xf32, #tpu.memory_space<hbm>>) dst(%arg8 : memref<8x4096xf32, #tpu.memory_space<vmem>>)
      %broadcast_in_dim3A_241 = arith.constant 0.000000e+00 : f32
      %broadcast_in_dim3A_242 = vector.broadcast %broadcast_in_dim3A_241 : f32 to vector<16xf32>
      %broadcast_in_dim3A_243 = arith.constant 0.000000e+00 : f32
      %broadcast_in_dim3A_244 = vector.broadcast %broadcast_in_dim3A_243 : f32 to vector<16xf32>
      %broadcast_in_dim3A_245 = arith.constant 0.000000e+00 : f32
      %broadcast_in_dim3A_246 = vector.broadcast %broadcast_in_dim3A_245 : f32 to vector<16xf32>
      %broadcast_in_dim3A_247 = arith.constant 0.000000e+00 : f32
      %broadcast_in_dim3A_248 = vector.broadcast %broadcast_in_dim3A_247 : f32 to vector<16xf32>
      %broadcast_in_dim3A_249 = arith.constant 0.000000e+00 : f32
      %broadcast_in_dim3A_250 = vector.broadcast %broadcast_in_dim3A_249 : f32 to vector<16xf32>
      %broadcast_in_dim3A_251 = arith.constant 0.000000e+00 : f32
      %broadcast_in_dim3A_252 = vector.broadcast %broadcast_in_dim3A_251 : f32 to vector<16xf32>
      %broadcast_in_dim3A_253 = arith.constant 0.000000e+00 : f32
      %broadcast_in_dim3A_254 = vector.broadcast %broadcast_in_dim3A_253 : f32 to vector<16xf32>
      %broadcast_in_dim3A_255 = arith.constant 0.000000e+00 : f32
      %broadcast_in_dim3A_256 = vector.broadcast %broadcast_in_dim3A_255 : f32 to vector<16xf32>
      %scan3A_257 = arith.constant 0 : i32
      %scan3A_258 = arith.constant 256 : i32
      %scan3A_259 = arith.addi %scan3A_257, %scan3A_258 : i32
      %scan3A_260 = arith.constant 1 : i32
      %scan3A_261:8 = scf.for %scan3A_419 = %scan3A_257 to %scan3A_259 step %scan3A_260 iter_args(%scan3A_420 = %broadcast_in_dim3A_242, %scan3A_421 = %broadcast_in_dim3A_244, %scan3A_422 = %broadcast_in_dim3A_246, %scan3A_423 = %broadcast_in_dim3A_248, %scan3A_424 = %broadcast_in_dim3A_250, %scan3A_425 = %broadcast_in_dim3A_252, %scan3A_426 = %broadcast_in_dim3A_254, %scan3A_427 = %broadcast_in_dim3A_256) -> (vector<16xf32>, vector<16xf32>, vector<16xf32>, vector<16xf32>, vector<16xf32>, vector<16xf32>, vector<16xf32>, vector<16xf32>)  : i32 {
        %mul3A_428 = arith.constant 16 : i32
        %mul3A_429 = arith.muli %scan3A_419, %mul3A_428 : i32
        %get3A_430 = arith.index_cast %mul3A_429 : i32 to index
        %get3A_431 = tpu.vector_load %arg6[%get3A_430] {strides = array<i32>} : memref<4096xf32, #tpu.memory_space<vmem>>, vector<16xf32>,
        %get3A_432 = arith.constant 0 : i32
        %get3A_433 = arith.index_cast %get3A_432 : i32 to index
        %get3A_434 = arith.index_cast %mul3A_429 : i32 to index
        %get3A_435 = tpu.vector_load %arg8[%get3A_433, %get3A_434] {strides = array<i32>} : memref<8x4096xf32, #tpu.memory_space<vmem>>, vector<16xf32>,
        %mul3A_436 = arith.mulf %get3A_435, %get3A_431 : vector<16xf32>
        %add3A_437 = arith.addf %scan3A_420, %mul3A_436 : vector<16xf32>
        %get3A_438 = arith.constant 1 : i32
        %get3A_439 = arith.index_cast %get3A_438 : i32 to index
        %get3A_440 = arith.index_cast %mul3A_429 : i32 to index
        %get3A_441 = tpu.vector_load %arg8[%get3A_439, %get3A_440] {strides = array<i32>} : memref<8x4096xf32, #tpu.memory_space<vmem>>, vector<16xf32>,
        %mul3A_442 = arith.mulf %get3A_441, %get3A_431 : vector<16xf32>
        %add3A_443 = arith.addf %scan3A_421, %mul3A_442 : vector<16xf32>
        %get3A_444 = arith.constant 2 : i32
        %get3A_445 = arith.index_cast %get3A_444 : i32 to index
        %get3A_446 = arith.index_cast %mul3A_429 : i32 to index
        %get3A_447 = tpu.vector_load %arg8[%get3A_445, %get3A_446] {strides = array<i32>} : memref<8x4096xf32, #tpu.memory_space<vmem>>, vector<16xf32>,
        %mul3A_448 = arith.mulf %get3A_447, %get3A_431 : vector<16xf32>
        %add3A_449 = arith.addf %scan3A_422, %mul3A_448 : vector<16xf32>
        %get3A_450 = arith.constant 3 : i32
        %get3A_451 = arith.index_cast %get3A_450 : i32 to index
        %get3A_452 = arith.index_cast %mul3A_429 : i32 to index
        %get3A_453 = tpu.vector_load %arg8[%get3A_451, %get3A_452] {strides = array<i32>} : memref<8x4096xf32, #tpu.memory_space<vmem>>, vector<16xf32>,
        %mul3A_454 = arith.mulf %get3A_453, %get3A_431 : vector<16xf32>
        %add3A_455 = arith.addf %scan3A_423, %mul3A_454 : vector<16xf32>
        %get3A_456 = arith.constant 4 : i32
        %get3A_457 = arith.index_cast %get3A_456 : i32 to index
        %get3A_458 = arith.index_cast %mul3A_429 : i32 to index
        %get3A_459 = tpu.vector_load %arg8[%get3A_457, %get3A_458] {strides = array<i32>} : memref<8x4096xf32, #tpu.memory_space<vmem>>, vector<16xf32>,
        %mul3A_460 = arith.mulf %get3A_459, %get3A_431 : vector<16xf32>
        %add3A_461 = arith.addf %scan3A_424, %mul3A_460 : vector<16xf32>
        %get3A_462 = arith.constant 5 : i32
        %get3A_463 = arith.index_cast %get3A_462 : i32 to index
        %get3A_464 = arith.index_cast %mul3A_429 : i32 to index
        %get3A_465 = tpu.vector_load %arg8[%get3A_463, %get3A_464] {strides = array<i32>} : memref<8x4096xf32, #tpu.memory_space<vmem>>, vector<16xf32>,
        %mul3A_466 = arith.mulf %get3A_465, %get3A_431 : vector<16xf32>
        %add3A_467 = arith.addf %scan3A_425, %mul3A_466 : vector<16xf32>
        %get3A_468 = arith.constant 6 : i32
        %get3A_469 = arith.index_cast %get3A_468 : i32 to index
        %get3A_470 = arith.index_cast %mul3A_429 : i32 to index
        %get3A_471 = tpu.vector_load %arg8[%get3A_469, %get3A_470] {strides = array<i32>} : memref<8x4096xf32, #tpu.memory_space<vmem>>, vector<16xf32>,
        %mul3A_472 = arith.mulf %get3A_471, %get3A_431 : vector<16xf32>
        %add3A_473 = arith.addf %scan3A_426, %mul3A_472 : vector<16xf32>
        %get3A_474 = arith.constant 7 : i32
        %get3A_475 = arith.index_cast %get3A_474 : i32 to index
        %get3A_476 = arith.index_cast %mul3A_429 : i32 to index
        %get3A_477 = tpu.vector_load %arg8[%get3A_475, %get3A_476] {strides = array<i32>} : memref<8x4096xf32, #tpu.memory_space<vmem>>, vector<16xf32>,
        %mul3A_478 = arith.mulf %get3A_477, %get3A_431 : vector<16xf32>
        %add3A_479 = arith.addf %scan3A_427, %mul3A_478 : vector<16xf32>
        scf.yield %add3A_437, %add3A_443, %add3A_449, %add3A_455, %add3A_461, %add3A_467, %add3A_473, %add3A_479 : vector<16xf32>, vector<16xf32>, vector<16xf32>, vector<16xf32>, vector<16xf32>, vector<16xf32>, vector<16xf32>, vector<16xf32>
      }
      %scan3A_262 = arith.constant 256 : i32
      %add3A_263 = arith.constant 3 : i32
      %add3A_264 = arith.addi %mul3A_186, %add3A_263 : i32
      %lt3A_265 = arith.constant 32 : i32
      %lt3A_266 = arith.cmpi slt, %add3A_264, %lt3A_265 : i32
      %convert_element_type3A_267 = arith.extui %lt3A_266 : i1 to i32
      %cond3A_268 = arith.constant 0 : i32
      %cond3A_269 = arith.cmpi ne, %convert_element_type3A_267, %cond3A_268 : i32
      scf.if %cond3A_269 {
        %add3A_419 = arith.constant 3 : i32
        %add3A_420 = arith.addi %mul3A_186, %add3A_419 : i32
        %mul3A_421 = arith.constant 8 : i32
        %mul3A_422 = arith.muli %add3A_420, %mul3A_421 : i32
        %dma_start3A_423 = arith.constant 0 : i32
        %dma_start3A_424 = tpu.memref_slice %arg2[%add3A, %mul3A_422, %dma_start3A_423] : memref<32x256x4096xf32, #tpu.memory_space<hbm>> -> memref<1x8x4096xf32, #tpu.memory_space<hbm>>
        %dma_start3A_425 = tpu.memref_squeeze %dma_start3A_424 : memref<1x8x4096xf32, #tpu.memory_space<hbm>> -> memref<8x4096xf32, #tpu.memory_space<hbm>>
        %dma_start3A_426 = arith.constant 0 : i32
        %dma_start3A_427 = tpu.memref_slice %arg2[%add3A, %mul3A_422, %dma_start3A_426] : memref<32x256x4096xf32, #tpu.memory_space<hbm>> -> memref<1x8x4096xf32, #tpu.memory_space<hbm>>
        %dma_start3A_428 = tpu.memref_squeeze %dma_start3A_427 : memref<1x8x4096xf32, #tpu.memory_space<hbm>> -> memref<8x4096xf32, #tpu.memory_space<hbm>>
        tpu.enqueue_dma source(%dma_start3A_428 : memref<8x4096xf32, #tpu.memory_space<hbm>>) target(%arg8 : memref<8x4096xf32, #tpu.memory_space<vmem>>) target_semaphore(%arg12 : memref<!tpu.dma_semaphore, #tpu.memory_space<semaphore_mem>>)
      } else {
      }
      %broadcast_in_dim3A_270 = arith.constant 0.000000e+00 : f32
      %broadcast_in_dim3A_271 = vector.broadcast %broadcast_in_dim3A_270 : f32 to vector<16xf32>
      %eq3A = arith.constant 0 : i32
      %eq3A_272 = vector.broadcast %eq3A : i32 to vector<16xi32>
      %eq3A_273 = arith.cmpi eq, %iota3A, %eq3A_272 : vector<16xi32>
      %reduce_sum3A_274 = arith.constant true
      %reduce_sum3A_275 = vector.broadcast %reduce_sum3A_274 : i1 to vector<16xi1>
      %reduce_sum3A_276 = tpu.scan <sum>, %scan3A_225#0 masked %reduce_sum3A_275 : vector<16xf32>, vector<16xi1> -> vector<16xf32>
      %reduce_sum3A_277 = vector.extract %reduce_sum3A_276[15] : f32 from vector<16xf32>
      %broadcast_in_dim3A_278 = vector.broadcast %reduce_sum3A_277 : f32 to vector<16xf32>
      %select_n3A_279 = arith.select %eq3A_273, %broadcast_in_dim3A_278, %broadcast_in_dim3A_271 : vector<16xi1>, vector<16xf32>
      %eq3A_280 = arith.constant 8 : i32
      %eq3A_281 = vector.broadcast %eq3A_280 : i32 to vector<16xi32>
      %eq3A_282 = arith.cmpi eq, %iota3A, %eq3A_281 : vector<16xi32>
      %reduce_sum3A_283 = arith.constant true
      %reduce_sum3A_284 = vector.broadcast %reduce_sum3A_283 : i1 to vector<16xi1>
      %reduce_sum3A_285 = tpu.scan <sum>, %scan3A_261#0 masked %reduce_sum3A_284 : vector<16xf32>, vector<16xi1> -> vector<16xf32>
      %reduce_sum3A_286 = vector.extract %reduce_sum3A_285[15] : f32 from vector<16xf32>
      %broadcast_in_dim3A_287 = vector.broadcast %reduce_sum3A_286 : f32 to vector<16xf32>
      %select_n3A_288 = arith.select %eq3A_282, %broadcast_in_dim3A_287, %select_n3A_279 : vector<16xi1>, vector<16xf32>
      %eq3A_289 = arith.constant 1 : i32
      %eq3A_290 = vector.broadcast %eq3A_289 : i32 to vector<16xi32>
      %eq3A_291 = arith.cmpi eq, %iota3A, %eq3A_290 : vector<16xi32>
      %reduce_sum3A_292 = arith.constant true
      %reduce_sum3A_293 = vector.broadcast %reduce_sum3A_292 : i1 to vector<16xi1>
      %reduce_sum3A_294 = tpu.scan <sum>, %scan3A_225#1 masked %reduce_sum3A_293 : vector<16xf32>, vector<16xi1> -> vector<16xf32>
      %reduce_sum3A_295 = vector.extract %reduce_sum3A_294[15] : f32 from vector<16xf32>
      %broadcast_in_dim3A_296 = vector.broadcast %reduce_sum3A_295 : f32 to vector<16xf32>
      %select_n3A_297 = arith.select %eq3A_291, %broadcast_in_dim3A_296, %select_n3A_288 : vector<16xi1>, vector<16xf32>
      %eq3A_298 = arith.constant 9 : i32
      %eq3A_299 = vector.broadcast %eq3A_298 : i32 to vector<16xi32>
      %eq3A_300 = arith.cmpi eq, %iota3A, %eq3A_299 : vector<16xi32>
      %reduce_sum3A_301 = arith.constant true
      %reduce_sum3A_302 = vector.broadcast %reduce_sum3A_301 : i1 to vector<16xi1>
      %reduce_sum3A_303 = tpu.scan <sum>, %scan3A_261#1 masked %reduce_sum3A_302 : vector<16xf32>, vector<16xi1> -> vector<16xf32>
      %reduce_sum3A_304 = vector.extract %reduce_sum3A_303[15] : f32 from vector<16xf32>
      %broadcast_in_dim3A_305 = vector.broadcast %reduce_sum3A_304 : f32 to vector<16xf32>
      %select_n3A_306 = arith.select %eq3A_300, %broadcast_in_dim3A_305, %select_n3A_297 : vector<16xi1>, vector<16xf32>
      %eq3A_307 = arith.constant 2 : i32
      %eq3A_308 = vector.broadcast %eq3A_307 : i32 to vector<16xi32>
      %eq3A_309 = arith.cmpi eq, %iota3A, %eq3A_308 : vector<16xi32>
      %reduce_sum3A_310 = arith.constant true
      %reduce_sum3A_311 = vector.broadcast %reduce_sum3A_310 : i1 to vector<16xi1>
      %reduce_sum3A_312 = tpu.scan <sum>, %scan3A_225#2 masked %reduce_sum3A_311 : vector<16xf32>, vector<16xi1> -> vector<16xf32>
      %reduce_sum3A_313 = vector.extract %reduce_sum3A_312[15] : f32 from vector<16xf32>
      %broadcast_in_dim3A_314 = vector.broadcast %reduce_sum3A_313 : f32 to vector<16xf32>
      %select_n3A_315 = arith.select %eq3A_309, %broadcast_in_dim3A_314, %select_n3A_306 : vector<16xi1>, vector<16xf32>
      %eq3A_316 = arith.constant 10 : i32
      %eq3A_317 = vector.broadcast %eq3A_316 : i32 to vector<16xi32>
      %eq3A_318 = arith.cmpi eq, %iota3A, %eq3A_317 : vector<16xi32>
      %reduce_sum3A_319 = arith.constant true
      %reduce_sum3A_320 = vector.broadcast %reduce_sum3A_319 : i1 to vector<16xi1>
      %reduce_sum3A_321 = tpu.scan <sum>, %scan3A_261#2 masked %reduce_sum3A_320 : vector<16xf32>, vector<16xi1> -> vector<16xf32>
      %reduce_sum3A_322 = vector.extract %reduce_sum3A_321[15] : f32 from vector<16xf32>
      %broadcast_in_dim3A_323 = vector.broadcast %reduce_sum3A_322 : f32 to vector<16xf32>
      %select_n3A_324 = arith.select %eq3A_318, %broadcast_in_dim3A_323, %select_n3A_315 : vector<16xi1>, vector<16xf32>
      %eq3A_325 = arith.constant 3 : i32
      %eq3A_326 = vector.broadcast %eq3A_325 : i32 to vector<16xi32>
      %eq3A_327 = arith.cmpi eq, %iota3A, %eq3A_326 : vector<16xi32>
      %reduce_sum3A_328 = arith.constant true
      %reduce_sum3A_329 = vector.broadcast %reduce_sum3A_328 : i1 to vector<16xi1>
      %reduce_sum3A_330 = tpu.scan <sum>, %scan3A_225#3 masked %reduce_sum3A_329 : vector<16xf32>, vector<16xi1> -> vector<16xf32>
      %reduce_sum3A_331 = vector.extract %reduce_sum3A_330[15] : f32 from vector<16xf32>
      %broadcast_in_dim3A_332 = vector.broadcast %reduce_sum3A_331 : f32 to vector<16xf32>
      %select_n3A_333 = arith.select %eq3A_327, %broadcast_in_dim3A_332, %select_n3A_324 : vector<16xi1>, vector<16xf32>
      %eq3A_334 = arith.constant 11 : i32
      %eq3A_335 = vector.broadcast %eq3A_334 : i32 to vector<16xi32>
      %eq3A_336 = arith.cmpi eq, %iota3A, %eq3A_335 : vector<16xi32>
      %reduce_sum3A_337 = arith.constant true
      %reduce_sum3A_338 = vector.broadcast %reduce_sum3A_337 : i1 to vector<16xi1>
      %reduce_sum3A_339 = tpu.scan <sum>, %scan3A_261#3 masked %reduce_sum3A_338 : vector<16xf32>, vector<16xi1> -> vector<16xf32>
      %reduce_sum3A_340 = vector.extract %reduce_sum3A_339[15] : f32 from vector<16xf32>
      %broadcast_in_dim3A_341 = vector.broadcast %reduce_sum3A_340 : f32 to vector<16xf32>
      %select_n3A_342 = arith.select %eq3A_336, %broadcast_in_dim3A_341, %select_n3A_333 : vector<16xi1>, vector<16xf32>
      %eq3A_343 = arith.constant 4 : i32
      %eq3A_344 = vector.broadcast %eq3A_343 : i32 to vector<16xi32>
      %eq3A_345 = arith.cmpi eq, %iota3A, %eq3A_344 : vector<16xi32>
      %reduce_sum3A_346 = arith.constant true
      %reduce_sum3A_347 = vector.broadcast %reduce_sum3A_346 : i1 to vector<16xi1>
      %reduce_sum3A_348 = tpu.scan <sum>, %scan3A_225#4 masked %reduce_sum3A_347 : vector<16xf32>, vector<16xi1> -> vector<16xf32>
      %reduce_sum3A_349 = vector.extract %reduce_sum3A_348[15] : f32 from vector<16xf32>
      %broadcast_in_dim3A_350 = vector.broadcast %reduce_sum3A_349 : f32 to vector<16xf32>
      %select_n3A_351 = arith.select %eq3A_345, %broadcast_in_dim3A_350, %select_n3A_342 : vector<16xi1>, vector<16xf32>
      %eq3A_352 = arith.constant 12 : i32
      %eq3A_353 = vector.broadcast %eq3A_352 : i32 to vector<16xi32>
      %eq3A_354 = arith.cmpi eq, %iota3A, %eq3A_353 : vector<16xi32>
      %reduce_sum3A_355 = arith.constant true
      %reduce_sum3A_356 = vector.broadcast %reduce_sum3A_355 : i1 to vector<16xi1>
      %reduce_sum3A_357 = tpu.scan <sum>, %scan3A_261#4 masked %reduce_sum3A_356 : vector<16xf32>, vector<16xi1> -> vector<16xf32>
      %reduce_sum3A_358 = vector.extract %reduce_sum3A_357[15] : f32 from vector<16xf32>
      %broadcast_in_dim3A_359 = vector.broadcast %reduce_sum3A_358 : f32 to vector<16xf32>
      %select_n3A_360 = arith.select %eq3A_354, %broadcast_in_dim3A_359, %select_n3A_351 : vector<16xi1>, vector<16xf32>
      %eq3A_361 = arith.constant 5 : i32
      %eq3A_362 = vector.broadcast %eq3A_361 : i32 to vector<16xi32>
      %eq3A_363 = arith.cmpi eq, %iota3A, %eq3A_362 : vector<16xi32>
      %reduce_sum3A_364 = arith.constant true
      %reduce_sum3A_365 = vector.broadcast %reduce_sum3A_364 : i1 to vector<16xi1>
      %reduce_sum3A_366 = tpu.scan <sum>, %scan3A_225#5 masked %reduce_sum3A_365 : vector<16xf32>, vector<16xi1> -> vector<16xf32>
      %reduce_sum3A_367 = vector.extract %reduce_sum3A_366[15] : f32 from vector<16xf32>
      %broadcast_in_dim3A_368 = vector.broadcast %reduce_sum3A_367 : f32 to vector<16xf32>
      %select_n3A_369 = arith.select %eq3A_363, %broadcast_in_dim3A_368, %select_n3A_360 : vector<16xi1>, vector<16xf32>
      %eq3A_370 = arith.constant 13 : i32
      %eq3A_371 = vector.broadcast %eq3A_370 : i32 to vector<16xi32>
      %eq3A_372 = arith.cmpi eq, %iota3A, %eq3A_371 : vector<16xi32>
      %reduce_sum3A_373 = arith.constant true
      %reduce_sum3A_374 = vector.broadcast %reduce_sum3A_373 : i1 to vector<16xi1>
      %reduce_sum3A_375 = tpu.scan <sum>, %scan3A_261#5 masked %reduce_sum3A_374 : vector<16xf32>, vector<16xi1> -> vector<16xf32>
      %reduce_sum3A_376 = vector.extract %reduce_sum3A_375[15] : f32 from vector<16xf32>
      %broadcast_in_dim3A_377 = vector.broadcast %reduce_sum3A_376 : f32 to vector<16xf32>
      %select_n3A_378 = arith.select %eq3A_372, %broadcast_in_dim3A_377, %select_n3A_369 : vector<16xi1>, vector<16xf32>
      %eq3A_379 = arith.constant 6 : i32
      %eq3A_380 = vector.broadcast %eq3A_379 : i32 to vector<16xi32>
      %eq3A_381 = arith.cmpi eq, %iota3A, %eq3A_380 : vector<16xi32>
      %reduce_sum3A_382 = arith.constant true
      %reduce_sum3A_383 = vector.broadcast %reduce_sum3A_382 : i1 to vector<16xi1>
      %reduce_sum3A_384 = tpu.scan <sum>, %scan3A_225#6 masked %reduce_sum3A_383 : vector<16xf32>, vector<16xi1> -> vector<16xf32>
      %reduce_sum3A_385 = vector.extract %reduce_sum3A_384[15] : f32 from vector<16xf32>
      %broadcast_in_dim3A_386 = vector.broadcast %reduce_sum3A_385 : f32 to vector<16xf32>
      %select_n3A_387 = arith.select %eq3A_381, %broadcast_in_dim3A_386, %select_n3A_378 : vector<16xi1>, vector<16xf32>
      %eq3A_388 = arith.constant 14 : i32
      %eq3A_389 = vector.broadcast %eq3A_388 : i32 to vector<16xi32>
      %eq3A_390 = arith.cmpi eq, %iota3A, %eq3A_389 : vector<16xi32>
      %reduce_sum3A_391 = arith.constant true
      %reduce_sum3A_392 = vector.broadcast %reduce_sum3A_391 : i1 to vector<16xi1>
      %reduce_sum3A_393 = tpu.scan <sum>, %scan3A_261#6 masked %reduce_sum3A_392 : vector<16xf32>, vector<16xi1> -> vector<16xf32>
      %reduce_sum3A_394 = vector.extract %reduce_sum3A_393[15] : f32 from vector<16xf32>
      %broadcast_in_dim3A_395 = vector.broadcast %reduce_sum3A_394 : f32 to vector<16xf32>
      %select_n3A_396 = arith.select %eq3A_390, %broadcast_in_dim3A_395, %select_n3A_387 : vector<16xi1>, vector<16xf32>
      %eq3A_397 = arith.constant 7 : i32
      %eq3A_398 = vector.broadcast %eq3A_397 : i32 to vector<16xi32>
      %eq3A_399 = arith.cmpi eq, %iota3A, %eq3A_398 : vector<16xi32>
      %reduce_sum3A_400 = arith.constant true
      %reduce_sum3A_401 = vector.broadcast %reduce_sum3A_400 : i1 to vector<16xi1>
      %reduce_sum3A_402 = tpu.scan <sum>, %scan3A_225#7 masked %reduce_sum3A_401 : vector<16xf32>, vector<16xi1> -> vector<16xf32>
      %reduce_sum3A_403 = vector.extract %reduce_sum3A_402[15] : f32 from vector<16xf32>
      %broadcast_in_dim3A_404 = vector.broadcast %reduce_sum3A_403 : f32 to vector<16xf32>
      %select_n3A_405 = arith.select %eq3A_399, %broadcast_in_dim3A_404, %select_n3A_396 : vector<16xi1>, vector<16xf32>
      %eq3A_406 = arith.constant 15 : i32
      %eq3A_407 = vector.broadcast %eq3A_406 : i32 to vector<16xi32>
      %eq3A_408 = arith.cmpi eq, %iota3A, %eq3A_407 : vector<16xi32>
      %reduce_sum3A_409 = arith.constant true
      %reduce_sum3A_410 = vector.broadcast %reduce_sum3A_409 : i1 to vector<16xi1>
      %reduce_sum3A_411 = tpu.scan <sum>, %scan3A_261#7 masked %reduce_sum3A_410 : vector<16xf32>, vector<16xi1> -> vector<16xf32>
      %reduce_sum3A_412 = vector.extract %reduce_sum3A_411[15] : f32 from vector<16xf32>
      %broadcast_in_dim3A_413 = vector.broadcast %reduce_sum3A_412 : f32 to vector<16xf32>
      %select_n3A_414 = arith.select %eq3A_408, %broadcast_in_dim3A_413, %select_n3A_405 : vector<16xi1>, vector<16xf32>
      %mul3A_415 = arith.mulf %select_n3A_414, %select_n3A : vector<16xf32>
      %mul3A_416 = arith.constant 8 : i32
      %mul3A_417 = arith.muli %mul3A_186, %mul3A_416 : i32
      %swap3A = arith.index_cast %mul3A_417 : i32 to index
      %swap3A_418 = tpu.vector_load %arg9[%swap3A] {strides = array<i32>} : memref<272xf32, #tpu.memory_space<vmem>>, vector<16xf32>,
      tpu.vector_store %arg9[%swap3A], %mul3A_415 {strides = array<i32>} : memref<272xf32, #tpu.memory_space<vmem>>, vector<16xf32>,
    }
    %scan3A_39 = arith.constant 16 : i32
    %broadcast_in_dim3A_40 = arith.constant 0.000000e+00 : f32
    %broadcast_in_dim3A_41 = vector.broadcast %broadcast_in_dim3A_40 : f32 to vector<16xf32>
    %scan3A_42 = arith.constant 0 : i32
    %scan3A_43 = arith.constant 16 : i32
    %scan3A_44 = arith.addi %scan3A_42, %scan3A_43 : i32
    %scan3A_45 = arith.constant 1 : i32
    %scan3A_46 = scf.for %scan3A_184 = %scan3A_42 to %scan3A_44 step %scan3A_45 iter_args(%scan3A_185 = %broadcast_in_dim3A_41) -> (vector<16xf32>)  : i32 {
      %mul3A_186 = arith.constant 16 : i32
      %mul3A_187 = arith.muli %scan3A_184, %mul3A_186 : i32
      %get3A_188 = arith.index_cast %mul3A_187 : i32 to index
      %get3A_189 = tpu.vector_load %arg9[%get3A_188] {strides = array<i32>} : memref<272xf32, #tpu.memory_space<vmem>>, vector<16xf32>,
      %mul3A_190 = arith.mulf %get3A_189, %get3A_189 : vector<16xf32>
      %add3A_191 = arith.addf %scan3A_185, %mul3A_190 : vector<16xf32>
      scf.yield %add3A_191 : vector<16xf32>
    }
    %scan3A_47 = arith.constant 16 : i32
    %reduce_sum3A_48 = arith.constant true
    %reduce_sum3A_49 = vector.broadcast %reduce_sum3A_48 : i1 to vector<16xi1>
    %reduce_sum3A_50 = tpu.scan <sum>, %scan3A_46 masked %reduce_sum3A_49 : vector<16xf32>, vector<16xi1> -> vector<16xf32>
    %reduce_sum3A_51 = vector.extract %reduce_sum3A_50[15] : f32 from vector<16xf32>
    %broadcast_in_dim3A_52 = vector.broadcast %reduce_sum3A_51 : f32 to vector<16xf32>
    %add3A_53 = arith.constant 9.99999996E-13 : f32
    %add3A_54 = vector.broadcast %add3A_53 : f32 to vector<16xf32>
    %add3A_55 = arith.addf %broadcast_in_dim3A_52, %add3A_54 : vector<16xf32>
    %bitcast3A = vector.bitcast %add3A_55 : vector<16xf32> to vector<16xi32>
    %shift_right_logical3A = arith.constant 1 : i32
    %shift_right_logical3A_56 = vector.broadcast %shift_right_logical3A : i32 to vector<16xi32>
    %shift_right_logical3A_57 = arith.shrui %bitcast3A, %shift_right_logical3A_56 : vector<16xi32>
    %sub3A = arith.constant 1597463007 : i32
    %sub3A_58 = vector.broadcast %sub3A : i32 to vector<16xi32>
    %sub3A_59 = arith.subi %sub3A_58, %shift_right_logical3A_57 : vector<16xi32>
    %bitcast3A_60 = vector.bitcast %sub3A_59 : vector<16xi32> to vector<16xf32>
    %mul3A_61 = arith.constant 5.000000e-01 : f32
    %mul3A_62 = vector.broadcast %mul3A_61 : f32 to vector<16xf32>
    %mul3A_63 = arith.mulf %mul3A_62, %add3A_55 : vector<16xf32>
    %mul3A_64 = arith.mulf %mul3A_63, %bitcast3A_60 : vector<16xf32>
    %mul3A_65 = arith.mulf %mul3A_64, %bitcast3A_60 : vector<16xf32>
    %sub3A_66 = arith.constant 1.500000e+00 : f32
    %sub3A_67 = vector.broadcast %sub3A_66 : f32 to vector<16xf32>
    %sub3A_68 = arith.subf %sub3A_67, %mul3A_65 : vector<16xf32>
    %mul3A_69 = arith.mulf %bitcast3A_60, %sub3A_68 : vector<16xf32>
    %mul3A_70 = arith.constant 5.000000e-01 : f32
    %mul3A_71 = vector.broadcast %mul3A_70 : f32 to vector<16xf32>
    %mul3A_72 = arith.mulf %mul3A_71, %add3A_55 : vector<16xf32>
    %mul3A_73 = arith.mulf %mul3A_72, %mul3A_69 : vector<16xf32>
    %mul3A_74 = arith.mulf %mul3A_73, %mul3A_69 : vector<16xf32>
    %sub3A_75 = arith.constant 1.500000e+00 : f32
    %sub3A_76 = vector.broadcast %sub3A_75 : f32 to vector<16xf32>
    %sub3A_77 = arith.subf %sub3A_76, %mul3A_74 : vector<16xf32>
    %mul3A_78 = arith.mulf %mul3A_69, %sub3A_77 : vector<16xf32>
    %mul3A_79 = arith.constant 5.000000e-01 : f32
    %mul3A_80 = vector.broadcast %mul3A_79 : f32 to vector<16xf32>
    %mul3A_81 = arith.mulf %mul3A_80, %add3A_55 : vector<16xf32>
    %mul3A_82 = arith.mulf %mul3A_81, %mul3A_78 : vector<16xf32>
    %mul3A_83 = arith.mulf %mul3A_82, %mul3A_78 : vector<16xf32>
    %sub3A_84 = arith.constant 1.500000e+00 : f32
    %sub3A_85 = vector.broadcast %sub3A_84 : f32 to vector<16xf32>
    %sub3A_86 = arith.subf %sub3A_85, %mul3A_83 : vector<16xf32>
    %mul3A_87 = arith.mulf %mul3A_78, %sub3A_86 : vector<16xf32>
    %mul3A_88 = arith.constant 5.000000e-01 : f32
    %mul3A_89 = vector.broadcast %mul3A_88 : f32 to vector<16xf32>
    %mul3A_90 = arith.mulf %mul3A_89, %add3A_55 : vector<16xf32>
    %mul3A_91 = arith.mulf %mul3A_90, %mul3A_87 : vector<16xf32>
    %mul3A_92 = arith.mulf %mul3A_91, %mul3A_87 : vector<16xf32>
    %sub3A_93 = arith.constant 1.500000e+00 : f32
    %sub3A_94 = vector.broadcast %sub3A_93 : f32 to vector<16xf32>
    %sub3A_95 = arith.subf %sub3A_94, %mul3A_92 : vector<16xf32>
    %mul3A_96 = arith.mulf %mul3A_87, %sub3A_95 : vector<16xf32>
    %broadcast_in_dim3A_97 = vector.broadcast %reduce_sum3A_51 : f32 to vector<16xf32>
    %mul3A_98 = arith.mulf %broadcast_in_dim3A_97, %mul3A_96 : vector<16xf32>
    %mul3A_99 = arith.mulf %mul3A_98, %mul3A_96 : vector<16xf32>
    %add3A_100 = arith.constant 9.99999996E-13 : f32
    %add3A_101 = vector.broadcast %add3A_100 : f32 to vector<16xf32>
    %add3A_102 = arith.addf %mul3A_99, %add3A_101 : vector<16xf32>
    %bitcast3A_103 = vector.bitcast %add3A_102 : vector<16xf32> to vector<16xi32>
    %shift_right_logical3A_104 = arith.constant 1 : i32
    %shift_right_logical3A_105 = vector.broadcast %shift_right_logical3A_104 : i32 to vector<16xi32>
    %shift_right_logical3A_106 = arith.shrui %bitcast3A_103, %shift_right_logical3A_105 : vector<16xi32>
    %sub3A_107 = arith.constant 1597463007 : i32
    %sub3A_108 = vector.broadcast %sub3A_107 : i32 to vector<16xi32>
    %sub3A_109 = arith.subi %sub3A_108, %shift_right_logical3A_106 : vector<16xi32>
    %bitcast3A_110 = vector.bitcast %sub3A_109 : vector<16xi32> to vector<16xf32>
    %mul3A_111 = arith.constant 5.000000e-01 : f32
    %mul3A_112 = vector.broadcast %mul3A_111 : f32 to vector<16xf32>
    %mul3A_113 = arith.mulf %mul3A_112, %add3A_102 : vector<16xf32>
    %mul3A_114 = arith.mulf %mul3A_113, %bitcast3A_110 : vector<16xf32>
    %mul3A_115 = arith.mulf %mul3A_114, %bitcast3A_110 : vector<16xf32>
    %sub3A_116 = arith.constant 1.500000e+00 : f32
    %sub3A_117 = vector.broadcast %sub3A_116 : f32 to vector<16xf32>
    %sub3A_118 = arith.subf %sub3A_117, %mul3A_115 : vector<16xf32>
    %mul3A_119 = arith.mulf %bitcast3A_110, %sub3A_118 : vector<16xf32>
    %mul3A_120 = arith.constant 5.000000e-01 : f32
    %mul3A_121 = vector.broadcast %mul3A_120 : f32 to vector<16xf32>
    %mul3A_122 = arith.mulf %mul3A_121, %add3A_102 : vector<16xf32>
    %mul3A_123 = arith.mulf %mul3A_122, %mul3A_119 : vector<16xf32>
    %mul3A_124 = arith.mulf %mul3A_123, %mul3A_119 : vector<16xf32>
    %sub3A_125 = arith.constant 1.500000e+00 : f32
    %sub3A_126 = vector.broadcast %sub3A_125 : f32 to vector<16xf32>
    %sub3A_127 = arith.subf %sub3A_126, %mul3A_124 : vector<16xf32>
    %mul3A_128 = arith.mulf %mul3A_119, %sub3A_127 : vector<16xf32>
    %mul3A_129 = arith.constant 5.000000e-01 : f32
    %mul3A_130 = vector.broadcast %mul3A_129 : f32 to vector<16xf32>
    %mul3A_131 = arith.mulf %mul3A_130, %add3A_102 : vector<16xf32>
    %mul3A_132 = arith.mulf %mul3A_131, %mul3A_128 : vector<16xf32>
    %mul3A_133 = arith.mulf %mul3A_132, %mul3A_128 : vector<16xf32>
    %sub3A_134 = arith.constant 1.500000e+00 : f32
    %sub3A_135 = vector.broadcast %sub3A_134 : f32 to vector<16xf32>
    %sub3A_136 = arith.subf %sub3A_135, %mul3A_133 : vector<16xf32>
    %mul3A_137 = arith.mulf %mul3A_128, %sub3A_136 : vector<16xf32>
    %mul3A_138 = arith.constant 5.000000e-01 : f32
    %mul3A_139 = vector.broadcast %mul3A_138 : f32 to vector<16xf32>
    %mul3A_140 = arith.mulf %mul3A_139, %add3A_102 : vector<16xf32>
    %mul3A_141 = arith.mulf %mul3A_140, %mul3A_137 : vector<16xf32>
    %mul3A_142 = arith.mulf %mul3A_141, %mul3A_137 : vector<16xf32>
    %sub3A_143 = arith.constant 1.500000e+00 : f32
    %sub3A_144 = vector.broadcast %sub3A_143 : f32 to vector<16xf32>
    %sub3A_145 = arith.subf %sub3A_144, %mul3A_142 : vector<16xf32>
    %mul3A_146 = arith.mulf %mul3A_137, %sub3A_145 : vector<16xf32>
    %mul3A_147 = arith.mulf %mul3A_96, %mul3A_146 : vector<16xf32>
    %mul3A_148 = arith.mulf %mul3A_147, %broadcast_in_dim3A_4 : vector<16xf32>
    %scan3A_149 = arith.constant 0 : i32
    %scan3A_150 = arith.constant 0 : i32
    %scan3A_151 = arith.constant 16 : i32
    %scan3A_152 = arith.addi %scan3A_150, %scan3A_151 : i32
    %scan3A_153 = arith.constant 1 : i32
    scf.for %scan3A_184 = %scan3A_150 to %scan3A_152 step %scan3A_153  : i32 {
      %mul3A_185 = arith.constant 16 : i32
      %mul3A_186 = arith.muli %scan3A_184, %mul3A_185 : i32
      %get3A_187 = arith.index_cast %mul3A_186 : i32 to index
      %get3A_188 = tpu.vector_load %arg9[%get3A_187] {strides = array<i32>} : memref<272xf32, #tpu.memory_space<vmem>>, vector<16xf32>,
      %mul3A_189 = arith.mulf %get3A_188, %mul3A_148 : vector<16xf32>
      %swap3A = arith.index_cast %mul3A_186 : i32 to index
      %swap3A_190 = tpu.vector_load %arg9[%swap3A] {strides = array<i32>} : memref<272xf32, #tpu.memory_space<vmem>>, vector<16xf32>,
      tpu.vector_store %arg9[%swap3A], %mul3A_189 {strides = array<i32>} : memref<272xf32, #tpu.memory_space<vmem>>, vector<16xf32>,
    }
    %scan3A_154 = arith.constant 16 : i32
    %dma_start3A_155 = arith.constant 0 : i32
    %dma_start3A_156 = arith.constant 0 : i32
    %dma_start3A_157 = tpu.memref_slice %arg2[%add3A, %dma_start3A_155, %dma_start3A_156] : memref<32x256x4096xf32, #tpu.memory_space<hbm>> -> memref<1x8x4096xf32, #tpu.memory_space<hbm>>
    %dma_start3A_158 = tpu.memref_squeeze %dma_start3A_157 : memref<1x8x4096xf32, #tpu.memory_space<hbm>> -> memref<8x4096xf32, #tpu.memory_space<hbm>>
    %dma_start3A_159 = arith.constant 0 : i32
    %dma_start3A_160 = arith.constant 0 : i32
    %dma_start3A_161 = tpu.memref_slice %arg2[%add3A, %dma_start3A_159, %dma_start3A_160] : memref<32x256x4096xf32, #tpu.memory_space<hbm>> -> memref<1x8x4096xf32, #tpu.memory_space<hbm>>
    %dma_start3A_162 = tpu.memref_squeeze %dma_start3A_161 : memref<1x8x4096xf32, #tpu.memory_space<hbm>> -> memref<8x4096xf32, #tpu.memory_space<hbm>>
    tpu.enqueue_dma source(%dma_start3A_162 : memref<8x4096xf32, #tpu.memory_space<hbm>>) target(%arg7 : memref<8x4096xf32, #tpu.memory_space<vmem>>) target_semaphore(%arg11 : memref<!tpu.dma_semaphore, #tpu.memory_space<semaphore_mem>>)
    %scan3A_163 = arith.constant 0 : i32
    %scan3A_164 = arith.constant 0 : i32
    %scan3A_165 = arith.constant 16 : i32
    %scan3A_166 = arith.addi %scan3A_164, %scan3A_165 : i32
    %scan3A_167 = arith.constant 1 : i32
    scf.for %scan3A_184 = %scan3A_164 to %scan3A_166 step %scan3A_167  : i32 {
      %mul3A_185 = arith.constant 2 : i32
      %mul3A_186 = arith.muli %scan3A_184, %mul3A_185 : i32
      %add3A_187 = arith.constant 1 : i32
      %add3A_188 = arith.addi %mul3A_186, %add3A_187 : i32
      %mul3A_189 = arith.constant 8 : i32
      %mul3A_190 = arith.muli %add3A_188, %mul3A_189 : i32
      %dma_start3A_191 = arith.constant 0 : i32
      %dma_start3A_192 = tpu.memref_slice %arg2[%add3A, %mul3A_190, %dma_start3A_191] : memref<32x256x4096xf32, #tpu.memory_space<hbm>> -> memref<1x8x4096xf32, #tpu.memory_space<hbm>>
      %dma_start3A_193 = tpu.memref_squeeze %dma_start3A_192 : memref<1x8x4096xf32, #tpu.memory_space<hbm>> -> memref<8x4096xf32, #tpu.memory_space<hbm>>
      %dma_start3A_194 = arith.constant 0 : i32
      %dma_start3A_195 = tpu.memref_slice %arg2[%add3A, %mul3A_190, %dma_start3A_194] : memref<32x256x4096xf32, #tpu.memory_space<hbm>> -> memref<1x8x4096xf32, #tpu.memory_space<hbm>>
      %dma_start3A_196 = tpu.memref_squeeze %dma_start3A_195 : memref<1x8x4096xf32, #tpu.memory_space<hbm>> -> memref<8x4096xf32, #tpu.memory_space<hbm>>
      tpu.enqueue_dma source(%dma_start3A_196 : memref<8x4096xf32, #tpu.memory_space<hbm>>) target(%arg8 : memref<8x4096xf32, #tpu.memory_space<vmem>>) target_semaphore(%arg12 : memref<!tpu.dma_semaphore, #tpu.memory_space<semaphore_mem>>)
      %dma_wait3A_197 = arith.constant 0 : i32
      %dma_wait3A_198 = arith.constant 0 : i32
      %dma_wait3A_199 = tpu.memref_slice %arg2[%add3A, %dma_wait3A_197, %dma_wait3A_198] : memref<32x256x4096xf32, #tpu.memory_space<hbm>> -> memref<1x8x4096xf32, #tpu.memory_space<hbm>>
      %dma_wait3A_200 = tpu.memref_squeeze %dma_wait3A_199 : memref<1x8x4096xf32, #tpu.memory_space<hbm>> -> memref<8x4096xf32, #tpu.memory_space<hbm>>
      %dma_wait3A_201 = arith.constant 0 : i32
      %dma_wait3A_202 = arith.constant 0 : i32
      %dma_wait3A_203 = tpu.memref_slice %arg2[%add3A, %dma_wait3A_201, %dma_wait3A_202] : memref<32x256x4096xf32, #tpu.memory_space<hbm>> -> memref<1x8x4096xf32, #tpu.memory_space<hbm>>
      %dma_wait3A_204 = tpu.memref_squeeze %dma_wait3A_203 : memref<1x8x4096xf32, #tpu.memory_space<hbm>> -> memref<8x4096xf32, #tpu.memory_space<hbm>>
      tpu.wait_dma2 semaphore(%arg11 : memref<!tpu.dma_semaphore, #tpu.memory_space<semaphore_mem>>) src(%dma_wait3A_204 : memref<8x4096xf32, #tpu.memory_space<hbm>>) dst(%arg7 : memref<8x4096xf32, #tpu.memory_space<vmem>>)
      %mul3A_205 = arith.constant 8 : i32
      %mul3A_206 = arith.muli %mul3A_186, %mul3A_205 : i32
      %get3A_207 = arith.index_cast %mul3A_206 : i32 to index
      %get3A_208 = tpu.vector_load %arg9[%get3A_207] {strides = array<i32>} : memref<272xf32, #tpu.memory_space<vmem>>, vector<16xf32>,
      %slice3A_209 = vector.extract_strided_slice %get3A_208 {offsets = [0], sizes = [1], strides = [1]} : vector<16xf32> to vector<1xf32>
      %squeeze3A_210 = vector.extract %slice3A_209[0] : f32 from vector<1xf32>
      %broadcast_in_dim3A_211 = vector.broadcast %squeeze3A_210 : f32 to vector<16xf32>
      %slice3A_212 = vector.extract_strided_slice %get3A_208 {offsets = [1], sizes = [1], strides = [1]} : vector<16xf32> to vector<1xf32>
      %squeeze3A_213 = vector.extract %slice3A_212[0] : f32 from vector<1xf32>
      %broadcast_in_dim3A_214 = vector.broadcast %squeeze3A_213 : f32 to vector<16xf32>
      %slice3A_215 = vector.extract_strided_slice %get3A_208 {offsets = [2], sizes = [1], strides = [1]} : vector<16xf32> to vector<1xf32>
      %squeeze3A_216 = vector.extract %slice3A_215[0] : f32 from vector<1xf32>
      %broadcast_in_dim3A_217 = vector.broadcast %squeeze3A_216 : f32 to vector<16xf32>
      %slice3A_218 = vector.extract_strided_slice %get3A_208 {offsets = [3], sizes = [1], strides = [1]} : vector<16xf32> to vector<1xf32>
      %squeeze3A_219 = vector.extract %slice3A_218[0] : f32 from vector<1xf32>
      %broadcast_in_dim3A_220 = vector.broadcast %squeeze3A_219 : f32 to vector<16xf32>
      %slice3A_221 = vector.extract_strided_slice %get3A_208 {offsets = [4], sizes = [1], strides = [1]} : vector<16xf32> to vector<1xf32>
      %squeeze3A_222 = vector.extract %slice3A_221[0] : f32 from vector<1xf32>
      %broadcast_in_dim3A_223 = vector.broadcast %squeeze3A_222 : f32 to vector<16xf32>
      %slice3A_224 = vector.extract_strided_slice %get3A_208 {offsets = [5], sizes = [1], strides = [1]} : vector<16xf32> to vector<1xf32>
      %squeeze3A_225 = vector.extract %slice3A_224[0] : f32 from vector<1xf32>
      %broadcast_in_dim3A_226 = vector.broadcast %squeeze3A_225 : f32 to vector<16xf32>
      %slice3A_227 = vector.extract_strided_slice %get3A_208 {offsets = [6], sizes = [1], strides = [1]} : vector<16xf32> to vector<1xf32>
      %squeeze3A_228 = vector.extract %slice3A_227[0] : f32 from vector<1xf32>
      %broadcast_in_dim3A_229 = vector.broadcast %squeeze3A_228 : f32 to vector<16xf32>
      %slice3A_230 = vector.extract_strided_slice %get3A_208 {offsets = [7], sizes = [1], strides = [1]} : vector<16xf32> to vector<1xf32>
      %squeeze3A_231 = vector.extract %slice3A_230[0] : f32 from vector<1xf32>
      %broadcast_in_dim3A_232 = vector.broadcast %squeeze3A_231 : f32 to vector<16xf32>
      %scan3A_233 = arith.constant 0 : i32
      %scan3A_234 = arith.constant 0 : i32
      %scan3A_235 = arith.constant 256 : i32
      %scan3A_236 = arith.addi %scan3A_234, %scan3A_235 : i32
      %scan3A_237 = arith.constant 1 : i32
      scf.for %scan3A_307 = %scan3A_234 to %scan3A_236 step %scan3A_237  : i32 {
        %mul3A_308 = arith.constant 16 : i32
        %mul3A_309 = arith.muli %scan3A_307, %mul3A_308 : i32
        %get3A_310 = arith.constant 0 : i32
        %get3A_311 = arith.index_cast %get3A_310 : i32 to index
        %get3A_312 = arith.index_cast %mul3A_309 : i32 to index
        %get3A_313 = tpu.vector_load %arg7[%get3A_311, %get3A_312] {strides = array<i32>} : memref<8x4096xf32, #tpu.memory_space<vmem>>, vector<16xf32>,
        %mul3A_314 = arith.mulf %get3A_313, %broadcast_in_dim3A : vector<16xf32>
        %add3A_315 = arith.addf %mul3A_314, %broadcast_in_dim3A_211 : vector<16xf32>
        %swap3A = arith.constant 0 : i32
        %swap3A_316 = arith.index_cast %swap3A : i32 to index
        %swap3A_317 = arith.index_cast %mul3A_309 : i32 to index
        %swap3A_318 = tpu.vector_load %arg7[%swap3A_316, %swap3A_317] {strides = array<i32>} : memref<8x4096xf32, #tpu.memory_space<vmem>>, vector<16xf32>,
        tpu.vector_store %arg7[%swap3A_316, %swap3A_317], %add3A_315 {strides = array<i32>} : memref<8x4096xf32, #tpu.memory_space<vmem>>, vector<16xf32>,
        %get3A_319 = arith.constant 1 : i32
        %get3A_320 = arith.index_cast %get3A_319 : i32 to index
        %get3A_321 = arith.index_cast %mul3A_309 : i32 to index
        %get3A_322 = tpu.vector_load %arg7[%get3A_320, %get3A_321] {strides = array<i32>} : memref<8x4096xf32, #tpu.memory_space<vmem>>, vector<16xf32>,
        %mul3A_323 = arith.mulf %get3A_322, %broadcast_in_dim3A : vector<16xf32>
        %add3A_324 = arith.addf %mul3A_323, %broadcast_in_dim3A_214 : vector<16xf32>
        %swap3A_325 = arith.constant 1 : i32
        %swap3A_326 = arith.index_cast %swap3A_325 : i32 to index
        %swap3A_327 = arith.index_cast %mul3A_309 : i32 to index
        %swap3A_328 = tpu.vector_load %arg7[%swap3A_326, %swap3A_327] {strides = array<i32>} : memref<8x4096xf32, #tpu.memory_space<vmem>>, vector<16xf32>,
        tpu.vector_store %arg7[%swap3A_326, %swap3A_327], %add3A_324 {strides = array<i32>} : memref<8x4096xf32, #tpu.memory_space<vmem>>, vector<16xf32>,
        %get3A_329 = arith.constant 2 : i32
        %get3A_330 = arith.index_cast %get3A_329 : i32 to index
        %get3A_331 = arith.index_cast %mul3A_309 : i32 to index
        %get3A_332 = tpu.vector_load %arg7[%get3A_330, %get3A_331] {strides = array<i32>} : memref<8x4096xf32, #tpu.memory_space<vmem>>, vector<16xf32>,
        %mul3A_333 = arith.mulf %get3A_332, %broadcast_in_dim3A : vector<16xf32>
        %add3A_334 = arith.addf %mul3A_333, %broadcast_in_dim3A_217 : vector<16xf32>
        %swap3A_335 = arith.constant 2 : i32
        %swap3A_336 = arith.index_cast %swap3A_335 : i32 to index
        %swap3A_337 = arith.index_cast %mul3A_309 : i32 to index
        %swap3A_338 = tpu.vector_load %arg7[%swap3A_336, %swap3A_337] {strides = array<i32>} : memref<8x4096xf32, #tpu.memory_space<vmem>>, vector<16xf32>,
        tpu.vector_store %arg7[%swap3A_336, %swap3A_337], %add3A_334 {strides = array<i32>} : memref<8x4096xf32, #tpu.memory_space<vmem>>, vector<16xf32>,
        %get3A_339 = arith.constant 3 : i32
        %get3A_340 = arith.index_cast %get3A_339 : i32 to index
        %get3A_341 = arith.index_cast %mul3A_309 : i32 to index
        %get3A_342 = tpu.vector_load %arg7[%get3A_340, %get3A_341] {strides = array<i32>} : memref<8x4096xf32, #tpu.memory_space<vmem>>, vector<16xf32>,
        %mul3A_343 = arith.mulf %get3A_342, %broadcast_in_dim3A : vector<16xf32>
        %add3A_344 = arith.addf %mul3A_343, %broadcast_in_dim3A_220 : vector<16xf32>
        %swap3A_345 = arith.constant 3 : i32
        %swap3A_346 = arith.index_cast %swap3A_345 : i32 to index
        %swap3A_347 = arith.index_cast %mul3A_309 : i32 to index
        %swap3A_348 = tpu.vector_load %arg7[%swap3A_346, %swap3A_347] {strides = array<i32>} : memref<8x4096xf32, #tpu.memory_space<vmem>>, vector<16xf32>,
        tpu.vector_store %arg7[%swap3A_346, %swap3A_347], %add3A_344 {strides = array<i32>} : memref<8x4096xf32, #tpu.memory_space<vmem>>, vector<16xf32>,
        %get3A_349 = arith.constant 4 : i32
        %get3A_350 = arith.index_cast %get3A_349 : i32 to index
        %get3A_351 = arith.index_cast %mul3A_309 : i32 to index
        %get3A_352 = tpu.vector_load %arg7[%get3A_350, %get3A_351] {strides = array<i32>} : memref<8x4096xf32, #tpu.memory_space<vmem>>, vector<16xf32>,
        %mul3A_353 = arith.mulf %get3A_352, %broadcast_in_dim3A : vector<16xf32>
        %add3A_354 = arith.addf %mul3A_353, %broadcast_in_dim3A_223 : vector<16xf32>
        %swap3A_355 = arith.constant 4 : i32
        %swap3A_356 = arith.index_cast %swap3A_355 : i32 to index
        %swap3A_357 = arith.index_cast %mul3A_309 : i32 to index
        %swap3A_358 = tpu.vector_load %arg7[%swap3A_356, %swap3A_357] {strides = array<i32>} : memref<8x4096xf32, #tpu.memory_space<vmem>>, vector<16xf32>,
        tpu.vector_store %arg7[%swap3A_356, %swap3A_357], %add3A_354 {strides = array<i32>} : memref<8x4096xf32, #tpu.memory_space<vmem>>, vector<16xf32>,
        %get3A_359 = arith.constant 5 : i32
        %get3A_360 = arith.index_cast %get3A_359 : i32 to index
        %get3A_361 = arith.index_cast %mul3A_309 : i32 to index
        %get3A_362 = tpu.vector_load %arg7[%get3A_360, %get3A_361] {strides = array<i32>} : memref<8x4096xf32, #tpu.memory_space<vmem>>, vector<16xf32>,
        %mul3A_363 = arith.mulf %get3A_362, %broadcast_in_dim3A : vector<16xf32>
        %add3A_364 = arith.addf %mul3A_363, %broadcast_in_dim3A_226 : vector<16xf32>
        %swap3A_365 = arith.constant 5 : i32
        %swap3A_366 = arith.index_cast %swap3A_365 : i32 to index
        %swap3A_367 = arith.index_cast %mul3A_309 : i32 to index
        %swap3A_368 = tpu.vector_load %arg7[%swap3A_366, %swap3A_367] {strides = array<i32>} : memref<8x4096xf32, #tpu.memory_space<vmem>>, vector<16xf32>,
        tpu.vector_store %arg7[%swap3A_366, %swap3A_367], %add3A_364 {strides = array<i32>} : memref<8x4096xf32, #tpu.memory_space<vmem>>, vector<16xf32>,
        %get3A_369 = arith.constant 6 : i32
        %get3A_370 = arith.index_cast %get3A_369 : i32 to index
        %get3A_371 = arith.index_cast %mul3A_309 : i32 to index
        %get3A_372 = tpu.vector_load %arg7[%get3A_370, %get3A_371] {strides = array<i32>} : memref<8x4096xf32, #tpu.memory_space<vmem>>, vector<16xf32>,
        %mul3A_373 = arith.mulf %get3A_372, %broadcast_in_dim3A : vector<16xf32>
        %add3A_374 = arith.addf %mul3A_373, %broadcast_in_dim3A_229 : vector<16xf32>
        %swap3A_375 = arith.constant 6 : i32
        %swap3A_376 = arith.index_cast %swap3A_375 : i32 to index
        %swap3A_377 = arith.index_cast %mul3A_309 : i32 to index
        %swap3A_378 = tpu.vector_load %arg7[%swap3A_376, %swap3A_377] {strides = array<i32>} : memref<8x4096xf32, #tpu.memory_space<vmem>>, vector<16xf32>,
        tpu.vector_store %arg7[%swap3A_376, %swap3A_377], %add3A_374 {strides = array<i32>} : memref<8x4096xf32, #tpu.memory_space<vmem>>, vector<16xf32>,
        %get3A_379 = arith.constant 7 : i32
        %get3A_380 = arith.index_cast %get3A_379 : i32 to index
        %get3A_381 = arith.index_cast %mul3A_309 : i32 to index
        %get3A_382 = tpu.vector_load %arg7[%get3A_380, %get3A_381] {strides = array<i32>} : memref<8x4096xf32, #tpu.memory_space<vmem>>, vector<16xf32>,
        %mul3A_383 = arith.mulf %get3A_382, %broadcast_in_dim3A : vector<16xf32>
        %add3A_384 = arith.addf %mul3A_383, %broadcast_in_dim3A_232 : vector<16xf32>
        %swap3A_385 = arith.constant 7 : i32
        %swap3A_386 = arith.index_cast %swap3A_385 : i32 to index
        %swap3A_387 = arith.index_cast %mul3A_309 : i32 to index
        %swap3A_388 = tpu.vector_load %arg7[%swap3A_386, %swap3A_387] {strides = array<i32>} : memref<8x4096xf32, #tpu.memory_space<vmem>>, vector<16xf32>,
        tpu.vector_store %arg7[%swap3A_386, %swap3A_387], %add3A_384 {strides = array<i32>} : memref<8x4096xf32, #tpu.memory_space<vmem>>, vector<16xf32>,
      }
      %scan3A_238 = arith.constant 256 : i32
      %mul3A_239 = arith.constant 8 : i32
      %mul3A_240 = arith.muli %mul3A_186, %mul3A_239 : i32
      %dma_start3A_241 = arith.constant 0 : i32
      %dma_start3A_242 = tpu.memref_slice %arg5[%add3A, %mul3A_240, %dma_start3A_241] : memref<32x256x4096xf32, #tpu.memory_space<hbm>> -> memref<1x8x4096xf32, #tpu.memory_space<hbm>>
      %dma_start3A_243 = tpu.memref_squeeze %dma_start3A_242 : memref<1x8x4096xf32, #tpu.memory_space<hbm>> -> memref<8x4096xf32, #tpu.memory_space<hbm>>
      %dma_start3A_244 = arith.constant 0 : i32
      %dma_start3A_245 = tpu.memref_slice %arg5[%add3A, %mul3A_240, %dma_start3A_244] : memref<32x256x4096xf32, #tpu.memory_space<hbm>> -> memref<1x8x4096xf32, #tpu.memory_space<hbm>>
      %dma_start3A_246 = tpu.memref_squeeze %dma_start3A_245 : memref<1x8x4096xf32, #tpu.memory_space<hbm>> -> memref<8x4096xf32, #tpu.memory_space<hbm>>
      tpu.enqueue_dma source(%arg7 : memref<8x4096xf32, #tpu.memory_space<vmem>>) target(%dma_start3A_246 : memref<8x4096xf32, #tpu.memory_space<hbm>>) target_semaphore(%arg13 : memref<!tpu.dma_semaphore, #tpu.memory_space<semaphore_mem>>)
      %dma_wait3A_247 = arith.constant 0 : i32
      %dma_wait3A_248 = arith.constant 0 : i32
      %dma_wait3A_249 = tpu.memref_slice %arg2[%add3A, %dma_wait3A_247, %dma_wait3A_248] : memref<32x256x4096xf32, #tpu.memory_space<hbm>> -> memref<1x8x4096xf32, #tpu.memory_space<hbm>>
      %dma_wait3A_250 = tpu.memref_squeeze %dma_wait3A_249 : memref<1x8x4096xf32, #tpu.memory_space<hbm>> -> memref<8x4096xf32, #tpu.memory_space<hbm>>
      %dma_wait3A_251 = arith.constant 0 : i32
      %dma_wait3A_252 = arith.constant 0 : i32
      %dma_wait3A_253 = tpu.memref_slice %arg2[%add3A, %dma_wait3A_251, %dma_wait3A_252] : memref<32x256x4096xf32, #tpu.memory_space<hbm>> -> memref<1x8x4096xf32, #tpu.memory_space<hbm>>
      %dma_wait3A_254 = tpu.memref_squeeze %dma_wait3A_253 : memref<1x8x4096xf32, #tpu.memory_space<hbm>> -> memref<8x4096xf32, #tpu.memory_space<hbm>>
      tpu.wait_dma2 semaphore(%arg12 : memref<!tpu.dma_semaphore, #tpu.memory_space<semaphore_mem>>) src(%dma_wait3A_254 : memref<8x4096xf32, #tpu.memory_space<hbm>>) dst(%arg8 : memref<8x4096xf32, #tpu.memory_space<vmem>>)
      %add3A_255 = arith.constant 1 : i32
      %add3A_256 = arith.addi %mul3A_186, %add3A_255 : i32
      %mul3A_257 = arith.constant 8 : i32
      %mul3A_258 = arith.muli %add3A_256, %mul3A_257 : i32
      %get3A_259 = arith.index_cast %mul3A_258 : i32 to index
      %get3A_260 = tpu.vector_load %arg9[%get3A_259] {strides = array<i32>} : memref<272xf32, #tpu.memory_space<vmem>>, vector<16xf32>,
      %slice3A_261 = vector.extract_strided_slice %get3A_260 {offsets = [0], sizes = [1], strides = [1]} : vector<16xf32> to vector<1xf32>
      %squeeze3A_262 = vector.extract %slice3A_261[0] : f32 from vector<1xf32>
      %broadcast_in_dim3A_263 = vector.broadcast %squeeze3A_262 : f32 to vector<16xf32>
      %slice3A_264 = vector.extract_strided_slice %get3A_260 {offsets = [1], sizes = [1], strides = [1]} : vector<16xf32> to vector<1xf32>
      %squeeze3A_265 = vector.extract %slice3A_264[0] : f32 from vector<1xf32>
      %broadcast_in_dim3A_266 = vector.broadcast %squeeze3A_265 : f32 to vector<16xf32>
      %slice3A_267 = vector.extract_strided_slice %get3A_260 {offsets = [2], sizes = [1], strides = [1]} : vector<16xf32> to vector<1xf32>
      %squeeze3A_268 = vector.extract %slice3A_267[0] : f32 from vector<1xf32>
      %broadcast_in_dim3A_269 = vector.broadcast %squeeze3A_268 : f32 to vector<16xf32>
      %slice3A_270 = vector.extract_strided_slice %get3A_260 {offsets = [3], sizes = [1], strides = [1]} : vector<16xf32> to vector<1xf32>
      %squeeze3A_271 = vector.extract %slice3A_270[0] : f32 from vector<1xf32>
      %broadcast_in_dim3A_272 = vector.broadcast %squeeze3A_271 : f32 to vector<16xf32>
      %slice3A_273 = vector.extract_strided_slice %get3A_260 {offsets = [4], sizes = [1], strides = [1]} : vector<16xf32> to vector<1xf32>
      %squeeze3A_274 = vector.extract %slice3A_273[0] : f32 from vector<1xf32>
      %broadcast_in_dim3A_275 = vector.broadcast %squeeze3A_274 : f32 to vector<16xf32>
      %slice3A_276 = vector.extract_strided_slice %get3A_260 {offsets = [5], sizes = [1], strides = [1]} : vector<16xf32> to vector<1xf32>
      %squeeze3A_277 = vector.extract %slice3A_276[0] : f32 from vector<1xf32>
      %broadcast_in_dim3A_278 = vector.broadcast %squeeze3A_277 : f32 to vector<16xf32>
      %slice3A_279 = vector.extract_strided_slice %get3A_260 {offsets = [6], sizes = [1], strides = [1]} : vector<16xf32> to vector<1xf32>
      %squeeze3A_280 = vector.extract %slice3A_279[0] : f32 from vector<1xf32>
      %broadcast_in_dim3A_281 = vector.broadcast %squeeze3A_280 : f32 to vector<16xf32>
      %slice3A_282 = vector.extract_strided_slice %get3A_260 {offsets = [7], sizes = [1], strides = [1]} : vector<16xf32> to vector<1xf32>
      %squeeze3A_283 = vector.extract %slice3A_282[0] : f32 from vector<1xf32>
      %broadcast_in_dim3A_284 = vector.broadcast %squeeze3A_283 : f32 to vector<16xf32>
      %scan3A_285 = arith.constant 0 : i32
      %scan3A_286 = arith.constant 0 : i32
      %scan3A_287 = arith.constant 256 : i32
      %scan3A_288 = arith.addi %scan3A_286, %scan3A_287 : i32
      %scan3A_289 = arith.constant 1 : i32
      scf.for %scan3A_307 = %scan3A_286 to %scan3A_288 step %scan3A_289  : i32 {
        %mul3A_308 = arith.constant 16 : i32
        %mul3A_309 = arith.muli %scan3A_307, %mul3A_308 : i32
        %get3A_310 = arith.constant 0 : i32
        %get3A_311 = arith.index_cast %get3A_310 : i32 to index
        %get3A_312 = arith.index_cast %mul3A_309 : i32 to index
        %get3A_313 = tpu.vector_load %arg8[%get3A_311, %get3A_312] {strides = array<i32>} : memref<8x4096xf32, #tpu.memory_space<vmem>>, vector<16xf32>,
        %mul3A_314 = arith.mulf %get3A_313, %broadcast_in_dim3A : vector<16xf32>
        %add3A_315 = arith.addf %mul3A_314, %broadcast_in_dim3A_263 : vector<16xf32>
        %swap3A = arith.constant 0 : i32
        %swap3A_316 = arith.index_cast %swap3A : i32 to index
        %swap3A_317 = arith.index_cast %mul3A_309 : i32 to index
        %swap3A_318 = tpu.vector_load %arg8[%swap3A_316, %swap3A_317] {strides = array<i32>} : memref<8x4096xf32, #tpu.memory_space<vmem>>, vector<16xf32>,
        tpu.vector_store %arg8[%swap3A_316, %swap3A_317], %add3A_315 {strides = array<i32>} : memref<8x4096xf32, #tpu.memory_space<vmem>>, vector<16xf32>,
        %get3A_319 = arith.constant 1 : i32
        %get3A_320 = arith.index_cast %get3A_319 : i32 to index
        %get3A_321 = arith.index_cast %mul3A_309 : i32 to index
        %get3A_322 = tpu.vector_load %arg8[%get3A_320, %get3A_321] {strides = array<i32>} : memref<8x4096xf32, #tpu.memory_space<vmem>>, vector<16xf32>,
        %mul3A_323 = arith.mulf %get3A_322, %broadcast_in_dim3A : vector<16xf32>
        %add3A_324 = arith.addf %mul3A_323, %broadcast_in_dim3A_266 : vector<16xf32>
        %swap3A_325 = arith.constant 1 : i32
        %swap3A_326 = arith.index_cast %swap3A_325 : i32 to index
        %swap3A_327 = arith.index_cast %mul3A_309 : i32 to index
        %swap3A_328 = tpu.vector_load %arg8[%swap3A_326, %swap3A_327] {strides = array<i32>} : memref<8x4096xf32, #tpu.memory_space<vmem>>, vector<16xf32>,
        tpu.vector_store %arg8[%swap3A_326, %swap3A_327], %add3A_324 {strides = array<i32>} : memref<8x4096xf32, #tpu.memory_space<vmem>>, vector<16xf32>,
        %get3A_329 = arith.constant 2 : i32
        %get3A_330 = arith.index_cast %get3A_329 : i32 to index
        %get3A_331 = arith.index_cast %mul3A_309 : i32 to index
        %get3A_332 = tpu.vector_load %arg8[%get3A_330, %get3A_331] {strides = array<i32>} : memref<8x4096xf32, #tpu.memory_space<vmem>>, vector<16xf32>,
        %mul3A_333 = arith.mulf %get3A_332, %broadcast_in_dim3A : vector<16xf32>
        %add3A_334 = arith.addf %mul3A_333, %broadcast_in_dim3A_269 : vector<16xf32>
        %swap3A_335 = arith.constant 2 : i32
        %swap3A_336 = arith.index_cast %swap3A_335 : i32 to index
        %swap3A_337 = arith.index_cast %mul3A_309 : i32 to index
        %swap3A_338 = tpu.vector_load %arg8[%swap3A_336, %swap3A_337] {strides = array<i32>} : memref<8x4096xf32, #tpu.memory_space<vmem>>, vector<16xf32>,
        tpu.vector_store %arg8[%swap3A_336, %swap3A_337], %add3A_334 {strides = array<i32>} : memref<8x4096xf32, #tpu.memory_space<vmem>>, vector<16xf32>,
        %get3A_339 = arith.constant 3 : i32
        %get3A_340 = arith.index_cast %get3A_339 : i32 to index
        %get3A_341 = arith.index_cast %mul3A_309 : i32 to index
        %get3A_342 = tpu.vector_load %arg8[%get3A_340, %get3A_341] {strides = array<i32>} : memref<8x4096xf32, #tpu.memory_space<vmem>>, vector<16xf32>,
        %mul3A_343 = arith.mulf %get3A_342, %broadcast_in_dim3A : vector<16xf32>
        %add3A_344 = arith.addf %mul3A_343, %broadcast_in_dim3A_272 : vector<16xf32>
        %swap3A_345 = arith.constant 3 : i32
        %swap3A_346 = arith.index_cast %swap3A_345 : i32 to index
        %swap3A_347 = arith.index_cast %mul3A_309 : i32 to index
        %swap3A_348 = tpu.vector_load %arg8[%swap3A_346, %swap3A_347] {strides = array<i32>} : memref<8x4096xf32, #tpu.memory_space<vmem>>, vector<16xf32>,
        tpu.vector_store %arg8[%swap3A_346, %swap3A_347], %add3A_344 {strides = array<i32>} : memref<8x4096xf32, #tpu.memory_space<vmem>>, vector<16xf32>,
        %get3A_349 = arith.constant 4 : i32
        %get3A_350 = arith.index_cast %get3A_349 : i32 to index
        %get3A_351 = arith.index_cast %mul3A_309 : i32 to index
        %get3A_352 = tpu.vector_load %arg8[%get3A_350, %get3A_351] {strides = array<i32>} : memref<8x4096xf32, #tpu.memory_space<vmem>>, vector<16xf32>,
        %mul3A_353 = arith.mulf %get3A_352, %broadcast_in_dim3A : vector<16xf32>
        %add3A_354 = arith.addf %mul3A_353, %broadcast_in_dim3A_275 : vector<16xf32>
        %swap3A_355 = arith.constant 4 : i32
        %swap3A_356 = arith.index_cast %swap3A_355 : i32 to index
        %swap3A_357 = arith.index_cast %mul3A_309 : i32 to index
        %swap3A_358 = tpu.vector_load %arg8[%swap3A_356, %swap3A_357] {strides = array<i32>} : memref<8x4096xf32, #tpu.memory_space<vmem>>, vector<16xf32>,
        tpu.vector_store %arg8[%swap3A_356, %swap3A_357], %add3A_354 {strides = array<i32>} : memref<8x4096xf32, #tpu.memory_space<vmem>>, vector<16xf32>,
        %get3A_359 = arith.constant 5 : i32
        %get3A_360 = arith.index_cast %get3A_359 : i32 to index
        %get3A_361 = arith.index_cast %mul3A_309 : i32 to index
        %get3A_362 = tpu.vector_load %arg8[%get3A_360, %get3A_361] {strides = array<i32>} : memref<8x4096xf32, #tpu.memory_space<vmem>>, vector<16xf32>,
        %mul3A_363 = arith.mulf %get3A_362, %broadcast_in_dim3A : vector<16xf32>
        %add3A_364 = arith.addf %mul3A_363, %broadcast_in_dim3A_278 : vector<16xf32>
        %swap3A_365 = arith.constant 5 : i32
        %swap3A_366 = arith.index_cast %swap3A_365 : i32 to index
        %swap3A_367 = arith.index_cast %mul3A_309 : i32 to index
        %swap3A_368 = tpu.vector_load %arg8[%swap3A_366, %swap3A_367] {strides = array<i32>} : memref<8x4096xf32, #tpu.memory_space<vmem>>, vector<16xf32>,
        tpu.vector_store %arg8[%swap3A_366, %swap3A_367], %add3A_364 {strides = array<i32>} : memref<8x4096xf32, #tpu.memory_space<vmem>>, vector<16xf32>,
        %get3A_369 = arith.constant 6 : i32
        %get3A_370 = arith.index_cast %get3A_369 : i32 to index
        %get3A_371 = arith.index_cast %mul3A_309 : i32 to index
        %get3A_372 = tpu.vector_load %arg8[%get3A_370, %get3A_371] {strides = array<i32>} : memref<8x4096xf32, #tpu.memory_space<vmem>>, vector<16xf32>,
        %mul3A_373 = arith.mulf %get3A_372, %broadcast_in_dim3A : vector<16xf32>
        %add3A_374 = arith.addf %mul3A_373, %broadcast_in_dim3A_281 : vector<16xf32>
        %swap3A_375 = arith.constant 6 : i32
        %swap3A_376 = arith.index_cast %swap3A_375 : i32 to index
        %swap3A_377 = arith.index_cast %mul3A_309 : i32 to index
        %swap3A_378 = tpu.vector_load %arg8[%swap3A_376, %swap3A_377] {strides = array<i32>} : memref<8x4096xf32, #tpu.memory_space<vmem>>, vector<16xf32>,
        tpu.vector_store %arg8[%swap3A_376, %swap3A_377], %add3A_374 {strides = array<i32>} : memref<8x4096xf32, #tpu.memory_space<vmem>>, vector<16xf32>,
        %get3A_379 = arith.constant 7 : i32
        %get3A_380 = arith.index_cast %get3A_379 : i32 to index
        %get3A_381 = arith.index_cast %mul3A_309 : i32 to index
        %get3A_382 = tpu.vector_load %arg8[%get3A_380, %get3A_381] {strides = array<i32>} : memref<8x4096xf32, #tpu.memory_space<vmem>>, vector<16xf32>,
        %mul3A_383 = arith.mulf %get3A_382, %broadcast_in_dim3A : vector<16xf32>
        %add3A_384 = arith.addf %mul3A_383, %broadcast_in_dim3A_284 : vector<16xf32>
        %swap3A_385 = arith.constant 7 : i32
        %swap3A_386 = arith.index_cast %swap3A_385 : i32 to index
        %swap3A_387 = arith.index_cast %mul3A_309 : i32 to index
        %swap3A_388 = tpu.vector_load %arg8[%swap3A_386, %swap3A_387] {strides = array<i32>} : memref<8x4096xf32, #tpu.memory_space<vmem>>, vector<16xf32>,
        tpu.vector_store %arg8[%swap3A_386, %swap3A_387], %add3A_384 {strides = array<i32>} : memref<8x4096xf32, #tpu.memory_space<vmem>>, vector<16xf32>,
      }
      %scan3A_290 = arith.constant 256 : i32
      %add3A_291 = arith.constant 1 : i32
      %add3A_292 = arith.addi %mul3A_186, %add3A_291 : i32
      %mul3A_293 = arith.constant 8 : i32
      %mul3A_294 = arith.muli %add3A_292, %mul3A_293 : i32
      %dma_start3A_295 = arith.constant 0 : i32
      %dma_start3A_296 = tpu.memref_slice %arg5[%add3A, %mul3A_294, %dma_start3A_295] : memref<32x256x4096xf32, #tpu.memory_space<hbm>> -> memref<1x8x4096xf32, #tpu.memory_space<hbm>>
      %dma_start3A_297 = tpu.memref_squeeze %dma_start3A_296 : memref<1x8x4096xf32, #tpu.memory_space<hbm>> -> memref<8x4096xf32, #tpu.memory_space<hbm>>
      %dma_start3A_298 = arith.constant 0 : i32
      %dma_start3A_299 = tpu.memref_slice %arg5[%add3A, %mul3A_294, %dma_start3A_298] : memref<32x256x4096xf32, #tpu.memory_space<hbm>> -> memref<1x8x4096xf32, #tpu.memory_space<hbm>>
      %dma_start3A_300 = tpu.memref_squeeze %dma_start3A_299 : memref<1x8x4096xf32, #tpu.memory_space<hbm>> -> memref<8x4096xf32, #tpu.memory_space<hbm>>
      tpu.enqueue_dma source(%arg8 : memref<8x4096xf32, #tpu.memory_space<vmem>>) target(%dma_start3A_300 : memref<8x4096xf32, #tpu.memory_space<hbm>>) target_semaphore(%arg14 : memref<!tpu.dma_semaphore, #tpu.memory_space<semaphore_mem>>)
      %add3A_301 = arith.constant 2 : i32
      %add3A_302 = arith.addi %mul3A_186, %add3A_301 : i32
      %lt3A = arith.constant 32 : i32
      %lt3A_303 = arith.cmpi slt, %add3A_302, %lt3A : i32
      %convert_element_type3A_304 = arith.extui %lt3A_303 : i1 to i32
      %cond3A_305 = arith.constant 0 : i32
      %cond3A_306 = arith.cmpi ne, %convert_element_type3A_304, %cond3A_305 : i32
      scf.if %cond3A_306 {
        %dma_wait3A_307 = arith.constant 0 : i32
        %dma_wait3A_308 = arith.constant 0 : i32
        %dma_wait3A_309 = tpu.memref_slice %arg5[%add3A, %dma_wait3A_307, %dma_wait3A_308] : memref<32x256x4096xf32, #tpu.memory_space<hbm>> -> memref<1x8x4096xf32, #tpu.memory_space<hbm>>
        %dma_wait3A_310 = tpu.memref_squeeze %dma_wait3A_309 : memref<1x8x4096xf32, #tpu.memory_space<hbm>> -> memref<8x4096xf32, #tpu.memory_space<hbm>>
        %dma_wait3A_311 = arith.constant 0 : i32
        %dma_wait3A_312 = arith.constant 0 : i32
        %dma_wait3A_313 = tpu.memref_slice %arg5[%add3A, %dma_wait3A_311, %dma_wait3A_312] : memref<32x256x4096xf32, #tpu.memory_space<hbm>> -> memref<1x8x4096xf32, #tpu.memory_space<hbm>>
        %dma_wait3A_314 = tpu.memref_squeeze %dma_wait3A_313 : memref<1x8x4096xf32, #tpu.memory_space<hbm>> -> memref<8x4096xf32, #tpu.memory_space<hbm>>
        tpu.wait_dma2 semaphore(%arg13 : memref<!tpu.dma_semaphore, #tpu.memory_space<semaphore_mem>>) src(%arg7 : memref<8x4096xf32, #tpu.memory_space<vmem>>) dst(%dma_wait3A_314 : memref<8x4096xf32, #tpu.memory_space<hbm>>)
        %add3A_315 = arith.constant 2 : i32
        %add3A_316 = arith.addi %mul3A_186, %add3A_315 : i32
        %mul3A_317 = arith.constant 8 : i32
        %mul3A_318 = arith.muli %add3A_316, %mul3A_317 : i32
        %dma_start3A_319 = arith.constant 0 : i32
        %dma_start3A_320 = tpu.memref_slice %arg2[%add3A, %mul3A_318, %dma_start3A_319] : memref<32x256x4096xf32, #tpu.memory_space<hbm>> -> memref<1x8x4096xf32, #tpu.memory_space<hbm>>
        %dma_start3A_321 = tpu.memref_squeeze %dma_start3A_320 : memref<1x8x4096xf32, #tpu.memory_space<hbm>> -> memref<8x4096xf32, #tpu.memory_space<hbm>>
        %dma_start3A_322 = arith.constant 0 : i32
        %dma_start3A_323 = tpu.memref_slice %arg2[%add3A, %mul3A_318, %dma_start3A_322] : memref<32x256x4096xf32, #tpu.memory_space<hbm>> -> memref<1x8x4096xf32, #tpu.memory_space<hbm>>
        %dma_start3A_324 = tpu.memref_squeeze %dma_start3A_323 : memref<1x8x4096xf32, #tpu.memory_space<hbm>> -> memref<8x4096xf32, #tpu.memory_space<hbm>>
        tpu.enqueue_dma source(%dma_start3A_324 : memref<8x4096xf32, #tpu.memory_space<hbm>>) target(%arg7 : memref<8x4096xf32, #tpu.memory_space<vmem>>) target_semaphore(%arg11 : memref<!tpu.dma_semaphore, #tpu.memory_space<semaphore_mem>>)
        %dma_wait3A_325 = arith.constant 0 : i32
        %dma_wait3A_326 = arith.constant 0 : i32
        %dma_wait3A_327 = tpu.memref_slice %arg5[%add3A, %dma_wait3A_325, %dma_wait3A_326] : memref<32x256x4096xf32, #tpu.memory_space<hbm>> -> memref<1x8x4096xf32, #tpu.memory_space<hbm>>
        %dma_wait3A_328 = tpu.memref_squeeze %dma_wait3A_327 : memref<1x8x4096xf32, #tpu.memory_space<hbm>> -> memref<8x4096xf32, #tpu.memory_space<hbm>>
        %dma_wait3A_329 = arith.constant 0 : i32
        %dma_wait3A_330 = arith.constant 0 : i32
        %dma_wait3A_331 = tpu.memref_slice %arg5[%add3A, %dma_wait3A_329, %dma_wait3A_330] : memref<32x256x4096xf32, #tpu.memory_space<hbm>> -> memref<1x8x4096xf32, #tpu.memory_space<hbm>>
        %dma_wait3A_332 = tpu.memref_squeeze %dma_wait3A_331 : memref<1x8x4096xf32, #tpu.memory_space<hbm>> -> memref<8x4096xf32, #tpu.memory_space<hbm>>
        tpu.wait_dma2 semaphore(%arg14 : memref<!tpu.dma_semaphore, #tpu.memory_space<semaphore_mem>>) src(%arg8 : memref<8x4096xf32, #tpu.memory_space<vmem>>) dst(%dma_wait3A_332 : memref<8x4096xf32, #tpu.memory_space<hbm>>)
        %add3A_333 = arith.constant 3 : i32
        %add3A_334 = arith.addi %mul3A_186, %add3A_333 : i32
        %mul3A_335 = arith.constant 8 : i32
        %mul3A_336 = arith.muli %add3A_334, %mul3A_335 : i32
        %dma_start3A_337 = arith.constant 0 : i32
        %dma_start3A_338 = tpu.memref_slice %arg2[%add3A, %mul3A_336, %dma_start3A_337] : memref<32x256x4096xf32, #tpu.memory_space<hbm>> -> memref<1x8x4096xf32, #tpu.memory_space<hbm>>
        %dma_start3A_339 = tpu.memref_squeeze %dma_start3A_338 : memref<1x8x4096xf32, #tpu.memory_space<hbm>> -> memref<8x4096xf32, #tpu.memory_space<hbm>>
        %dma_start3A_340 = arith.constant 0 : i32
        %dma_start3A_341 = tpu.memref_slice %arg2[%add3A, %mul3A_336, %dma_start3A_340] : memref<32x256x4096xf32, #tpu.memory_space<hbm>> -> memref<1x8x4096xf32, #tpu.memory_space<hbm>>
        %dma_start3A_342 = tpu.memref_squeeze %dma_start3A_341 : memref<1x8x4096xf32, #tpu.memory_space<hbm>> -> memref<8x4096xf32, #tpu.memory_space<hbm>>
        tpu.enqueue_dma source(%dma_start3A_342 : memref<8x4096xf32, #tpu.memory_space<hbm>>) target(%arg8 : memref<8x4096xf32, #tpu.memory_space<vmem>>) target_semaphore(%arg12 : memref<!tpu.dma_semaphore, #tpu.memory_space<semaphore_mem>>)
      } else {
      }
    }
    %scan3A_168 = arith.constant 16 : i32
    %dma_wait3A = arith.constant 0 : i32
    %dma_wait3A_169 = arith.constant 0 : i32
    %dma_wait3A_170 = tpu.memref_slice %arg5[%add3A, %dma_wait3A, %dma_wait3A_169] : memref<32x256x4096xf32, #tpu.memory_space<hbm>> -> memref<1x8x4096xf32, #tpu.memory_space<hbm>>
    %dma_wait3A_171 = tpu.memref_squeeze %dma_wait3A_170 : memref<1x8x4096xf32, #tpu.memory_space<hbm>> -> memref<8x4096xf32, #tpu.memory_space<hbm>>
    %dma_wait3A_172 = arith.constant 0 : i32
    %dma_wait3A_173 = arith.constant 0 : i32
    %dma_wait3A_174 = tpu.memref_slice %arg5[%add3A, %dma_wait3A_172, %dma_wait3A_173] : memref<32x256x4096xf32, #tpu.memory_space<hbm>> -> memref<1x8x4096xf32, #tpu.memory_space<hbm>>
    %dma_wait3A_175 = tpu.memref_squeeze %dma_wait3A_174 : memref<1x8x4096xf32, #tpu.memory_space<hbm>> -> memref<8x4096xf32, #tpu.memory_space<hbm>>
    tpu.wait_dma2 semaphore(%arg13 : memref<!tpu.dma_semaphore, #tpu.memory_space<semaphore_mem>>) src(%arg7 : memref<8x4096xf32, #tpu.memory_space<vmem>>) dst(%dma_wait3A_175 : memref<8x4096xf32, #tpu.memory_space<hbm>>)
    %dma_wait3A_176 = arith.constant 0 : i32
    %dma_wait3A_177 = arith.constant 0 : i32
    %dma_wait3A_178 = tpu.memref_slice %arg5[%add3A, %dma_wait3A_176, %dma_wait3A_177] : memref<32x256x4096xf32, #tpu.memory_space<hbm>> -> memref<1x8x4096xf32, #tpu.memory_space<hbm>>
    %dma_wait3A_179 = tpu.memref_squeeze %dma_wait3A_178 : memref<1x8x4096xf32, #tpu.memory_space<hbm>> -> memref<8x4096xf32, #tpu.memory_space<hbm>>
    %dma_wait3A_180 = arith.constant 0 : i32
    %dma_wait3A_181 = arith.constant 0 : i32
    %dma_wait3A_182 = tpu.memref_slice %arg5[%add3A, %dma_wait3A_180, %dma_wait3A_181] : memref<32x256x4096xf32, #tpu.memory_space<hbm>> -> memref<1x8x4096xf32, #tpu.memory_space<hbm>>
    %dma_wait3A_183 = tpu.memref_squeeze %dma_wait3A_182 : memref<1x8x4096xf32, #tpu.memory_space<hbm>> -> memref<8x4096xf32, #tpu.memory_space<hbm>>
    tpu.wait_dma2 semaphore(%arg14 : memref<!tpu.dma_semaphore, #tpu.memory_space<semaphore_mem>>) src(%arg8 : memref<8x4096xf32, #tpu.memory_space<vmem>>) dst(%dma_wait3A_183 : memref<8x4096xf32, #tpu.memory_space<hbm>>)
    return
  }
}

</mosaic_0001>

<sc_bundles>
// kernel: kernel.3.cloned.1.call-start
scs
__scs_entry_jumppad:
0x0: {  	(pc) =	sbr.rel $0x88, $3  }
0x1: {  	(tag) =	ssettag $0x0;
	lr =	simm.s32 $0x1  }
0x2: {  	[smem:$0x3F9D] =	sst lr;
	_ =	strace $0xD0000000  }
0x3: {  	_ = 	snop  }
0x4: {  	_ = 	snop  }
0x5: {  	_ = 	snop  }
0x6: {  	_ = 	snop  }
0x7: {  	_ = 	snop  }
__scs_overlays_trampoline_lowered:
0x8: {  	[smem:$0x3FAC] =	sst s0  }
0x9: {  	[smem:$0x3FAD] =	sst s1  }
0xa: {  	[smem:$0x3FAE] =	sst s2  }
0xb: {  	[smem:$0x3FAF] =	sst s3  }
0xc: {  	[smem:$0x3FB0] =	sst s4  }
0xd: {  	[smem:$0x3FB1] =	sst s5  }
0xe: {  	[smem:$0x3FB2] =	sst s6  }
0xf: {  	[smem:$0x3FB3] =	sst s7  }
0x10: {  	[smem:$0x3FB4] =	sst s8  }
0x11: {  	[smem:$0x3FB5] =	sst s9;
	s0 =	simm.s32 @!p0 $0x0  }
0x12: {  	s1 =	sld [smem:$0x3F9B];
	s0 =	simm.s32 @p0 $0x1  }
0x13: {  	[smem:$0x3FB6] =	sst s0;
	s0 =	simm.s32 @!p1 $0x0  }
0x14: {  	s2 =	sld [smem:$0x3F9A];
	s0 =	simm.s32 @p1 $0x1  }
0x15: {  	[smem:$0x3FB7] =	sst s0;
	s0 =	simm.s32 @!p2 $0x0  }
0x16: {  	s3 =	sld [smem:$0x3FDB];
	s0 =	simm.s32 @p2 $0x1  }
0x17: {  	s4 =	simm.s32 $0x1BF5;
	[smem:$0x3FB9] =	sst s0  }
0x18: {  	s0 =	sld [smem:$0x3F9C];
	_ =	swait.ge [sflag:s4], $0x0  }
0x19: {  	s7 =	sld [smem:$0x3F9D]  }
0x1a: {  	s8 =	sadd.s32 $0xFFFFE003, lr  }
0x1b: {  	s9 =	sadd.s32 $0xFFFFFEF7, lr;
	s5 =	simm.s32 $0xFFFFFFFF;
	p2 =	slt.u32 s8, $0xFFFFF086  }
0x1c: {  	p1 =	slt.u32 s9, $0xF7A;
	s5 =	simm.s32 @!p2 $0x0  }
0x1d: {  	s5 =	simm.s32 @p1 $0x1;
	p0 =	seq.s32 s7, s2  }
0x1e: {  	s7 =	smul.u32 @!p0 $0xF7A, s2;
	p2 =	seq.s32 @!p0 s5, $0x0  }
0x1f: {  	s9 =	smul.u32 $0xF7A, s1;
	s8 =	simm.s32 @!p0 $0x1BF5;
	p2 =	por !p2, p0  }
0x20: {  	[sflag:s8] =	ssyncset.s32 @!p0 $0xFFFFF086;
	s6 =	sadd.s32 @!p0 s3, s7;
	s7 =	simm.s32 @!p0 $0x108  }
0x21: {  	s3 =	sadd.s32 s3, s9;
	s6 =	sadd.s32 @!p0 $0x88, s6;
	s7 =	simm.s32 @p2 $0x1082  }
0x22: {  	[simem:s7], [sflag:s8] =	dma.local @!p0 [hbm:s6], $0xF7A  }
0x23: {  	s9 =	sor.u32 $0xD0000000, s2;
	s6 =	simm.s32 $0x108;
	_ =	swait.ge @!p0 [sflag:s8], $0x0  }
0x24: {  	s3 =	sadd.s32 $0x88, s3;
	s6 =	simm.s32 @!p1 $0x1082;
	[sflag:s4] =	ssyncset.s32 $0xFFFFF086  }
0x25: {  	[simem:s6], [sflag:s4] =	dma.local [hbm:s3], $0xF7A  }
0x26: {  	[smem:$0x3F9D] =	sst s1;
	(tag) =	ssettag s2;
	_ =	strace s9  }
0x27: {  	s1 =	sld [smem:$0x3FAD]  }
0x28: {  	s2 =	sld [smem:$0x3FAE]  }
0x29: {  	s4 =	sld [smem:$0x3FB0]  }
0x2a: {  	p0 =	seq.s32 s5, $0x0;
	s5 =	sld [smem:$0x3FB1]  }
0x2b: {  	s6 =	sld [smem:$0x3FB2]  }
0x2c: {  	s7 =	sld [smem:$0x3FB3]  }
0x2d: {  	s3 =	simm.s32 $0x108;
	s8 =	sld [smem:$0x3FB4]  }
0x2e: {  	s3 =	simm.s32 @!p0 $0x1082;
	s9 =	sld [smem:$0x3FB5]  }
0x2f: {  	lr =	sadd.s32 s0, s3;
	s0 =	sld [smem:$0x3FAC]  }
0x30: {  	s3 =	sld [smem:$0x3FAF]  }
0x31: {  	[smem:$0x3FB8] =	sst s10  }
0x32: {  	s10 =	sld [smem:$0x3FB6];
	_ =	sdelay $0x3  }
0x33: {  	p0 =	seq.s32 s10, $0x1;
	s10 =	sld [smem:$0x3FB8];
	_ =	sdelay $0x3  }
0x34: {  	[smem:$0x3FB8] =	sst s10  }
0x35: {  	s10 =	sld [smem:$0x3FB7];
	_ =	sdelay $0x3  }
0x36: {  	p1 =	seq.s32 s10, $0x1;
	s10 =	sld [smem:$0x3FB8];
	_ =	sdelay $0x3  }
0x37: {  	[smem:$0x3FB8] =	sst s10  }
0x38: {  	s10 =	sld [smem:$0x3FB9]  }
0x39: {  	_ = 	snop;
	(pc) =	sbr.ind lr, $3  }
0x3a: {  	_ = 	snop  }
0x3b: {  	_ = 	snop  }
0x3c: {  	p2 =	seq.s32 s10, $0x1;
	s10 =	sld [smem:$0x3FB8]  }
0x3d: {  	_ =	shalt  }
0x3e: {  	_ =	shalt  }
0x3f: {  	_ =	shalt  }
0x40: {  	_ =	shalt  }
0x41: {  	_ =	shalt  }
0x42: {  	_ =	shalt  }
0x43: {  	_ =	shalt  }
0x44: {  	_ =	shalt  }
0x45: {  	_ =	shalt  }
0x46: {  	_ =	shalt  }
0x47: {  	_ =	shalt  }
0x48: {  	_ =	shalt  }
0x49: {  	_ =	shalt  }
0x4a: {  	_ =	shalt  }
0x4b: {  	_ =	shalt  }
0x4c: {  	_ =	shalt  }
0x4d: {  	_ =	shalt  }
0x4e: {  	_ =	shalt  }
0x4f: {  	_ =	shalt  }
0x50: {  	_ =	shalt  }
0x51: {  	_ =	shalt  }
0x52: {  	_ =	shalt  }
0x53: {  	_ =	shalt  }
0x54: {  	_ =	shalt  }
0x55: {  	_ =	shalt  }
0x56: {  	_ =	shalt  }
0x57: {  	_ =	shalt  }
0x58: {  	_ =	shalt  }
0x59: {  	_ =	shalt  }
0x5a: {  	_ =	shalt  }
0x5b: {  	_ =	shalt  }
0x5c: {  	_ =	shalt  }
0x5d: {  	_ =	shalt  }
0x5e: {  	_ =	shalt  }
0x5f: {  	_ =	shalt  }
0x60: {  	_ =	shalt  }
0x61: {  	_ =	shalt  }
0x62: {  	_ =	shalt  }
0x63: {  	_ =	shalt  }
0x64: {  	_ =	shalt  }
0x65: {  	_ =	shalt  }
0x66: {  	_ =	shalt  }
0x67: {  	_ =	shalt  }
0x68: {  	_ =	shalt  }
0x69: {  	_ =	shalt  }
0x6a: {  	_ =	shalt  }
0x6b: {  	_ =	shalt  }
0x6c: {  	_ =	shalt  }
0x6d: {  	_ =	shalt  }
0x6e: {  	_ =	shalt  }
0x6f: {  	_ =	shalt  }
0x70: {  	_ =	shalt  }
0x71: {  	_ =	shalt  }
0x72: {  	_ =	shalt  }
0x73: {  	_ =	shalt  }
0x74: {  	_ =	shalt  }
0x75: {  	_ =	shalt  }
0x76: {  	_ =	shalt  }
0x77: {  	_ =	shalt  }
0x78: {  	_ =	shalt  }
0x79: {  	_ =	shalt  }
0x7a: {  	_ =	shalt  }
0x7b: {  	_ =	shalt  }
0x7c: {  	_ =	shalt  }
0x7d: {  	_ =	shalt  }
0x7e: {  	_ =	shalt  }
0x7f: {  	_ =	shalt  }
0x80: {  	_ =	shalt  }
0x81: {  	_ =	shalt  }
0x82: {  	_ =	shalt  }
0x83: {  	_ =	shalt  }
0x84: {  	_ =	shalt  }
0x85: {  	_ =	shalt  }
0x86: {  	_ =	shalt  }
0x87: {  	_ =	shalt  }
.Lfunc_end0:
.L_simem_size_0:
called_computation_lowered:
.L_overlay_start_0:
0x88: {  	s2 =	sld [smem:$0x3FD9]  }
0x89: {  	s3 =	sld [smem:$0x3FFE];
	_ =	sdelay $0x1  }
0x8a: {  	s1 =	srdreg.scid  }
0x8b: {  	s0 =	sand.u32 $0x1, s1  }
0x8c: {  	s17 =	sshll.u32 s0, $0xA;
	s2 =	sadd.s32 s3, s2  }
0x8d: {  	s2 =	sadd.s32 s2, s17  }
0x8e: {  	[smem:$0x3FC4] =	sst s2  }
0x8f: {  	_ = 	snop  }
0x90: {  	s2 =	sld [smem:$0x3FD0];
	(tm) =	ssettm $0x1  }
0x91: {  	s18 =	sld [smem:$0x3FFB];
	_ =	sdelay $0x3  }
0x92: {  	_ =	strace s18  }
0x93: {  	s3 =	sld [smem:$0x3FFC];
	_ =	sdelay $0x3  }
0x94: {  	_ =	strace s3  }
0x95: {  	s3 =	sld [smem:$0x3FFD];
	_ =	sdelay $0x3  }
0x96: {  	_ =	strace s3  }
0x97: {  	_ =	strace $0x8FFFFFFF  }
0x98: {  	s19 =	sld [smem:$0x3FDB];
	_ =	sdelay $0x1  }
0x99: {  	s4 =	simm.s32 $_scs_section_size  }
0x9a: {  	s5 =	simm.s32 $_size__tile_overlayer_lowered;
	s6 =	simm.s32 $_tile_overlayer_lowered  }
0x9b: {  	s22 =	simm.s32 $0x1BFF;
	s21 =	sshll.u32 s6, $0x1;
	s3 =	sadd.s32 s4, s19  }
0x9c: {  	s7 =	simm.s32 $0x0;
	s20 =	sshll.u32 s5, $0x1;
	s5 =	sadd.s32 s21, s3  }
0x9d: {  	[timem:s7], [sflag:s22] =	dma.local [hbm:s5], s20  }
0x9e: {  	_ =	swait.ge [sflag:s22], s20  }
0x9f: {  	s4 =	ssub.s32 $0x0, s20;
	[sflag:s22] =	ssyncset.done $0x0  }
0xa0: {  	[sflag:s22] =	ssyncadd.s32 s4;
	_ =	sdelay $0x1  }
0xa1: {  	s23 =	simm.s32 $0x1B8B  }
0xa2: {  	_ =	swait.ge [sflag:s23], $0x1  }
0xa3: {  	[sflag:s23] =	ssyncset.done $0x0  }
0xa4: {  	s25 =	simm.s32 $0x1B8E;
	s24 =	sld [smem:$0x3FFE];
	[sflag:s23] =	ssyncadd.s32 $0xFFFFFFFF  }
0xa5: {  	s26 =	simm.s32 $execute0_lowered;
	[smem:$0x3FD2] =	sst s25  }
0xa6: {  	s5 =	sshll.u32 s26, $0x1;
	_ =	strace $0x80000046;
	[dreg:$0x1] =	wrdreg $0xFFFFFFFF  }
0xa7: {  	s28 =	simm.s32 $_size_execute0_lowered;
	s3 =	sadd.s32 s3, s5;
	[dreg:$0x0] =	wrdreg $0x0  }
0xa8: {  	s5 =	sshll.u32 s28, $0x1;
	[dreg:$0x2] =	wrdreg s3  }
0xa9: {  	[dreg:$0x3] =	wrdreg s5  }
0xaa: {  	[dreg:$0x4] =	wrdreg $0xC0  }
0xab: {  	_ =	task [dreg:s7], $0x5FFFF  }
0xac: {  	[dreg:$0x1] =	wrdreg $0xFFFFFFFF  }
0xad: {  	[dreg:$0x0] =	wrdreg $0x60  }
0xae: {  	[dreg:$0x2] =	wrdreg s2  }
0xaf: {  	[dreg:$0x3] =	wrdreg s24  }
0xb0: {  	[dreg:$0x4] =	wrdreg $0x9  }
0xb1: {  	_ =	task.clear_ibuf [dreg:s7], $0x5FFFF;
	_ =	strace $0x90000046  }
0xb2: {  	s29 =	simm.s32 $0x9;
	_ =	strace $0x80000048  }
0xb3: {  	_ =	swait.ge [sflag:s29], $0x1  }
0xb4: {  	[sflag:s29] =	ssyncadd.s32 $0xFFFFFFFF  }
0xb5: {  	_ =	strace $0x90000048  }
0xb6: {  	_ =	sfence  }
0xb7: {  	s30 =	sld [smem:$0x0];
	_ =	sdelay $0x2  }
0xb8: {  	s31 =	sshll.u32 s1, $0xD;
	s1 =	sshrl.u32 s1, $0x2  }
0xb9: {  	s3 =	sand.u32 $0x4000, s31;
	s1 =	sadd.s32 s1, s30  }
0xba: {  	s0 =	sor.u32 s3, s0;
	s1 =	sshll.u32 s1, $0x11  }
0xbb: {  	s0 =	sor.u32 s1, s0  }
0xbc: {  	s0 =	sadd.s32 $0x8F2B, s0  }
0xbd: {  	[sflag:s0] =	ssyncadd.remote.s32 $0x1  }
0xbe: {  	_ =	sfence.sel $0xFFFF  }
0xbf: {  	[dreg:$0x0] =	wrdreg $0xFFFFFFFF;
	(pc) =	sbr.abs _section_cstart, $3  }
0xc0: {  	[dreg:$0x1] =	wrdreg $0xFFFFFFFF  }
0xc1: {  	_ =	task.clear_ibuf [dreg:s7], $0x2FFFF;
	_ =	strace $0x9FFFFFFF  }
0xc2: {  	(tm) =	ssettm $0x7FFFFFFF  }
0xc3: {  	_ =	shalt  }
tec
execute0_lowered:
.L_overlay_start_1:
0x0: {  	(tag) =	ssettag $0x1  }
0x1: {  	s1 =	rddreg [dreg:$0x0]  }
0x2: {  	s0 =	rddreg [dreg:$0x1];
	s3 =	simm.s32 $0x0  }
0x3: {  	s5 =	stileid.u32;
	s2 =	srdreg.scid;
	s13 =	simm.s32 $0x400  }
0x4: {  	s14 =	simm.s32 $0x5;
	s15 =	simm.s32 $0x11180;
	s16 =	simm.s32 $0x1000  }
0x5: {  	vm0 =	vmmov $0x1;
	vm2 =	vcmask $0x2320;
	vm1 =	vcmask $0x300;
	s17 =	simm.s32 $0x9000;
	s18 =	simm.s32 $0x1;
	s19 =	simm.s32 $0x2  }
0x6: {  	vm3 =	vcmask $0x700;
	vm4 =	vcmask $0x2720;
	vm5 =	vcmask $0xB00;
	s20 =	simm.s32 $0x3;
	s21 =	simm.s32 $0x4;
	s22 =	simm.s32 $0x0  }
0x7: {  	vm6 =	vcmask $0x2B20;
	vm7 =	vcmask $0xF00;
	vm8 =	vcmask $0x2F20;
	[smem:$0x7FF] =	sst s3;
	s4 =	sshll.u32 s5, $0xA;
	s2 =	sand.u32 $0x1, s2  }
0x8: {  	vm9 =	vcmask $0x1300;
	vm10 =	vcmask $0x3320;
	vm11 =	vcmask $0x1700;
	s5 =	sshll.u32 s5, $0x1;
	_ =	strace $0x80000047;
	s4 =	sand.u32 $0x3000, s4  }
0x9: {  	vm12 =	vcmask $0x3720;
	vm13 =	vcmask $0x1B00;
	vm14 =	vcmask $0x3B20;
	s8 =	sor.u32 s2, s5;
	s2 =	ssub.s32 $0x2, s2;
	s6 =	sadd.s32 s4, s0  }
.Ltmp0:
0xa: {  	v0 =	vimm.f32 $1.000000000e+00;
	vm1 =	vmor vm1, vm2;
	vm2 =	vmor vm3, vm2;
	s5 =	sshll.u32 s8, $0x4;
	s4 =	sadd.s32 $0x600, s0;
	(pc) =	sbr.rel .LBB2_1-.Ltmp0, $4  }
0xb: {  	vm3 =	vmor vm3, vm4;
	vm4 =	vmor vm5, vm4;
	vm5 =	vmor vm5, vm6;
	s7 =	sshrl.u32 s2, $0x1;
	s31 =	sshll.u32 s8, $0x11;
	s9 =	sand.u32 $0x70, s5  }
0xc: {  	vm6 =	vmor vm7, vm6;
	vm7 =	vmor vm7, vm8;
	vm8 =	vmor vm9, vm8;
	s5 =	sadd.s32 $0x4A00, s0;
	s29 =	ssub.s32 s2, s7;
	s7 =	sshll.u32 s8, $0x14  }
0xd: {  	vm9 =	vmor vm9, vm10;
	vm10 =	vmor vm11, vm10;
	vm11 =	vmor vm11, vm12;
	s8 =	sadd.s32 s1, s31;
	s30 =	sadd.s32 s9, s6;
	s9 =	sor.u32 $0x10000, s7  }
0xe: {  	vm12 =	vmor vm13, vm12;
	vm13 =	vmor vm13, vm14;
	vm14 =	vmmov $0x7fff;
	s10 =	sor.u32 $0x18000, s7;
	s11 =	smax.u32 s29, $0x1;
	s6 =	sadd.s32 $0xA00, s30  }
.LBB2_20:
0xf: {  	s22 =	sadd.s32 $0x1, s22  }
0x10: {  	p0 =	sne.s32 s22, s11  }
.Ltmp1:
0x11: {  	_ = 	snop;
	(pc) =	sbr.rel @!p0 .LBB2_21-.Ltmp1, $4  }
0x12: {  	_ = 	snop  }
0x13: {  	_ =	swait.ge [sflag:s21], $0x8000  }
0x14: {  	[sflag:s21] =	ssyncset.done $0x0  }
0x15: {  	[sflag:s21] =	ssyncadd.s32 $0xFFFF8000  }
.LBB2_1:
0x16: {  	s0 =	simm.s32 $0x80  }
0x17: {  	[tilespmem:s3], [sflag:$0x5] =	stream.strided.gather [hbm4b:s6+s0], $0x1000, s13, s0, $0x38;
	[tilespmem:$0x11200] =	vst v63  }
0x18: {  	_ =	swait.ge [sflag:s14], $0x1000  }
0x19: {  	[sflag:s14] =	ssyncset.done $0x0  }
0x1a: {  	[sflag:s14] =	ssyncadd.s32 $0xFFFFF000  }
0x1b: {  	[tilespmem:s15], [sflag:$0x5] =	stream.linear.gather [hbm4b:s4+s3], $0x80, $0x38;
	[tilespmem:$0x11200] =	vst v63  }
0x1c: {  	_ =	swait.ge [sflag:s14], $0x80  }
0x1d: {  	[sflag:s14] =	ssyncset.done $0x0  }
0x1e: {  	[sflag:s14] =	ssyncadd.s32 $0xFFFFFF80  }
0x1f: {  	s2 =	simm.s32 $0x0;
	v2 =	vld [tilespmem:$0x11180]  }
0x20: {  	v1 =	vimm.f32 $0.0e+00;
	s0 =	simm.s32 $0x40;
	v3 =	vld [tilespmem:s2+$0x0]  }
.LBB2_2:
0x21: {  	p0 =	sne.s32 s0, $0x3FC0  }
.Ltmp2:
0x22: {  	_ = 	snop;
	(pc) =	sbr.rel @p0 .LBB2_2-.Ltmp2, $3  }
0x23: {  	_ =	sdelay $0x1  }
0x24: {  	s2 =	sshra.s32 s0, $0x2;
	s0 =	sadd.s32 $0x40, s0;
	v1 =	vadd.f32 v3, v1  }
0x25: {  	v3 =	vld [tilespmem:s2+$0x0]  }
0x26: {  	_ =	sdelay $0x3  }
0x27: {  	v1 =	vadd.f32 v3, v1;
	_ =	sdelay $0x1  }
0x28: {  	(xrf2) =	vadd.scan.msk.f32 $0xffff, v1;
	_ =	sdelay $0x9  }
0x29: {  	v1, _, _ =	vpop (xrf2)  }
0x2a: {  	(v2sf) =	vpush v1, $0xF;
	_ =	sdelay $0xe  }
0x2b: {  	s0 =	spop (v2sf)  }
0x2c: {  	p0 =	sle.f32 s0, $9.999999740e-06  }
.Ltmp3:
0x2d: {  	_ = 	snop;
	(pc) =	sbr.rel @!p0 .LBB2_7-.Ltmp3, $2  }
0x2e: {  	_ =	sdelay $0x2  }
0x2f: {  	s23 =	simm.s32 $0x0  }
0x30: {  	s0 =	simm.s32 $0x40;
	s2 =	simm.s32 $0x0  }
.LBB2_5:
0x31: {  	p0 =	sne.s32 s0, $0x3FC0;
	[tilespmem:s2+$0x0] =	vst v0;
	s2 =	smov.u32 s0;
	s0 =	sadd.s32 $0x40, s0  }
.Ltmp4:
0x32: {  	(pc) =	sbr.rel @p0 .LBB2_5-.Ltmp4, $2  }
0x33: {  	_ =	sdelay $0x2  }
0x34: {  	s2 =	sshra.s32 s2, $0x2  }
0x35: {  	[tilespmem:s2+$0x0] =	vst v0  }
.LBB2_7:
0x36: {  	v1 =	vmax.f32 v1, $9.999999970e-07  }
0x37: {  	v1 =	vbroadcast v1, $0xF;
	_ =	sdelay $0x1  }
0x38: {  	(erf) = vrcp.f32 v1;
	_ =	sdelay $0x8  }
0x39: {  	[tilespmem:s16], [sflag:$0x1] =	stream.linear.gather [hbm4b:s8+s23], $0x8000, $0x38;
	vm15 =	vle.f32 v1, $9.999999740e-06;
	v3 =	vpop (erf);
	[tilespmem:$0x11200] =	vst v63  }
0x3a: {  	s24 =	simm.s32 $0x0;
	v1 =	vbroadcast v2, $0x0;
	v2 =	vbroadcast v2, $0x1;
	v3 =	vsel vm15, $0x39800000, v3  }
.LBB2_8:
0x3b: {  	s25 =	sshll.u32 s24, $0x10  }
0x3c: {  	s0 =	sor.u32 s25, s7  }
0x3d: {  	s0 =	sshrl.u32 s0, $0x3  }
0x3e: {  	s0 =	sadd.s32 s0, s1  }
0x3f: {  	s0 =	sadd.s32 $0x1000, s0  }
0x40: {  	[tilespmem:s17], [sflag:$0x2] =	stream.linear.gather [hbm4b:s0+s23], $0x8000, $0x38;
	[tilespmem:$0x11200] =	vst v63  }
0x41: {  	s12 =	sand.u32 $0x7, s23;
	_ =	swait.ge [sflag:s18], $0x8000  }
0x42: {  	s0 =	sshll.u32 s12, $0x4;
	[sflag:s18] =	ssyncset.done $0x0  }
0x43: {  	s0 =	sadd.s32 $0x0, s0;
	[sflag:s18] =	ssyncadd.s32 $0xFFFF8000  }
0x44: {  	s26 =	sand.u32 $0x70, s23;
	s2 =	sand.u32 $0x7C00, s23;
	s0 =	sor.u32 $0x380, s0;
	v4 =	vld [tilespmem:s23+$0x0]  }
0x45: {  	s26 =	sor.u32 s26, s2;
	v5 =	vld [tilespmem:s0+$0x1000]  }
0x46: {  	v17 =	vld [tilespmem:s26+$0x1000]  }
0x47: {  	v15 =	vld [tilespmem:s26+$0x1080]  }
0x48: {  	v7 =	vimm.f32 $0.0e+00;
	s28 =	simm.s32 $0x1;
	v10 =	vimm.f32 $0.0e+00;
	v11 =	vimm.f32 $0.0e+00;
	v13 =	vld [tilespmem:s26+$0x1100]  }
0x49: {  	v12 =	vimm.f32 $0.0e+00;
	v8 =	vimm.f32 $0.0e+00;
	s31 =	simm.s32 $0x20;
	s30 =	simm.s32 $0x0;
	v9 =	vimm.f32 $0.0e+00;
	s12 =	simm.s32 $0x10;
	v14 =	vld [tilespmem:s26+$0x1180]  }
0x4a: {  	s29 =	simm.s32 $0x0;
	v6 =	vimm.f32 $0.0e+00;
	s2 =	sand.u32 $0x7, s28;
	s0 =	sand.u32 $0x70, s12;
	v16 =	vld [tilespmem:s26+$0x1200];
	v18 =	vmul.f32 v5, v4;
	v5 =	vimm.f32 $0.0e+00  }
.LBB2_9:
0x4b: {  	p0 =	sne.s32 s31, $0xFF0;
	s2 =	sshll.u32 s2, $0x4;
	v17 =	vmul.f32 v17, v4;
	v19 =	vld [tilespmem:s26+$0x1280];
	s30 =	sadd.s32 $0x80, s30  }
0x4c: {  	s29 =	sadd.s32 $0x10, s29;
	s2 =	sadd.s32 s2, s30;
	s12 =	sand.u32 $0x7C00, s30;
	v15 =	vmul.f32 v15, v4;
	v20 =	vld [tilespmem:s26+$0x1300];
	v7 =	vadd.f32 v18, v7  }
0x4d: {  	v18 =	vld [tilespmem:s29+$0x0];
	s26 =	sor.u32 s0, s12;
	s0 =	sor.u32 $0x380, s2;
	v10 =	vadd.f32 v17, v10;
	v13 =	vmul.f32 v13, v4  }
0x4e: {  	v21 =	vld [tilespmem:s0+$0x1000];
	v11 =	vadd.f32 v15, v11;
	v14 =	vmul.f32 v14, v4  }
.Ltmp5:
0x4f: {  	v17 =	vld [tilespmem:s26+$0x1000];
	v12 =	vadd.f32 v13, v12;
	v16 =	vmul.f32 v16, v4;
	(pc) =	sbr.rel @p0 .LBB2_9-.Ltmp5, $4  }
0x50: {  	v15 =	vld [tilespmem:s26+$0x1080];
	v8 =	vadd.f32 v14, v8;
	v19 =	vmul.f32 v19, v4  }
0x51: {  	v13 =	vld [tilespmem:s26+$0x1100];
	v9 =	vadd.f32 v16, v9;
	v20 =	vmul.f32 v20, v4  }
0x52: {  	s28 =	sadd.s32 $0x1, s28;
	v14 =	vld [tilespmem:s26+$0x1180];
	v5 =	vadd.f32 v19, v5;
	v4 =	vmov v18  }
0x53: {  	s2 =	sand.u32 $0x7, s28;
	s0 =	sand.u32 $0x70, s31;
	s31 =	sadd.s32 $0x10, s31;
	v16 =	vld [tilespmem:s26+$0x1200];
	v18 =	vmul.f32 v21, v4;
	v6 =	vadd.f32 v20, v6  }
0x54: {  	s2 =	sshll.u32 s2, $0x4;
	v19 =	vld [tilespmem:s26+$0x1280];
	s12 =	sadd.s32 $0x80, s30  }
0x55: {  	v20 =	vld [tilespmem:s26+$0x1300];
	s26 =	sadd.s32 $0x10, s29;
	s2 =	sadd.s32 s2, s12  }
0x56: {  	s12 =	sand.u32 $0x7C00, s12;
	v21 =	vld [tilespmem:s26+$0x0];
	s2 =	sor.u32 $0x380, s2  }
0x57: {  	s0 =	sor.u32 s0, s12;
	v22 =	vld [tilespmem:s2+$0x1000]  }
0x58: {  	v23 =	vld [tilespmem:s0+$0x1000]  }
0x59: {  	v24 =	vld [tilespmem:s0+$0x1080]  }
0x5a: {  	v25 =	vld [tilespmem:s0+$0x1100]  }
0x5b: {  	p0 =	seq.s32 s24, $0xF;
	v26 =	vld [tilespmem:s0+$0x1180]  }
0x5c: {  	v17 =	vmul.f32 v17, v4;
	v27 =	vld [tilespmem:s0+$0x1200];
	s2 =	sadd.s32 @!p0 s25, s9  }
0x5d: {  	v15 =	vmul.f32 v15, v4;
	v7 =	vadd.f32 v18, v7;
	s26 =	simm.s32 $0x0;
	v13 =	vmul.f32 v13, v4;
	v28 =	vld [tilespmem:s0+$0x1280];
	s2 =	sshrl.u32 @!p0 s2, $0x3  }
0x5e: {  	v18 =	vimm.f32 $0.0e+00;
	s12 =	simm.s32 @!p0 $0x1000;
	v10 =	vadd.f32 v17, v10;
	v29 =	vld [tilespmem:s0+$0x1300];
	v14 =	vmul.f32 v14, v4;
	s0 =	sadd.s32 @!p0 s1, s2;
	s2 =	simm.s32 @!p0 $0x0  }
0x5f: {  	v11 =	vadd.f32 v15, v11;
	v15 =	vadd.f32 v13, v12;
	v12 =	vmul.f32 v16, v4;
	[tilespmem:s12], [sflag:$0x1] =	stream.linear.gather @!p0 [hbm4b:s0+s2], $0x8000, $0x38;
	[tilespmem:$0x11200] =	vst v63  }
0x60: {  	v14 =	vadd.f32 v14, v8;
	v8 =	vmul.f32 v19, v4;
	v4 =	vmul.f32 v20, v4;
	s12 =	sand.u32 $0x7, s26;
	_ =	swait.ge [sflag:s19], $0x8000  }
0x61: {  	v20 =	vimm.f32 $0.0e+00;
	v9 =	vadd.f32 v12, v9;
	s0 =	sshll.u32 s12, $0x4;
	[sflag:s19] =	ssyncset.done $0x0;
	v12 =	vmul.f32 v22, v21  }
0x62: {  	v5 =	vadd.f32 v8, v5;
	v6 =	vadd.f32 v4, v6;
	v13 =	vmul.f32 v23, v21;
	s0 =	sadd.s32 $0x0, s0;
	[sflag:s19] =	ssyncadd.s32 $0xFFFF8000  }
0x63: {  	s2 =	sand.u32 $0x70, s26;
	s12 =	sand.u32 $0x7C00, s26;
	v16 =	vmul.f32 v24, v21;
	s0 =	sor.u32 $0x380, s0;
	v8 =	vld [tilespmem:s26+$0x0];
	v4 =	vadd.f32 v12, v7;
	v7 =	vmul.f32 v25, v21  }
0x64: {  	v19 =	vimm.f32 $0.0e+00;
	s28 =	sor.u32 s2, s12;
	v13 =	vadd.f32 v13, v10;
	v17 =	vld [tilespmem:s0+$0x9000];
	v10 =	vmul.f32 v26, v21  }
0x65: {  	v12 =	vadd.f32 v16, v11;
	v16 =	vmul.f32 v27, v21;
	v26 =	vld [tilespmem:s28+$0x9000];
	v11 =	vadd.f32 v7, v15  }
0x66: {  	v25 =	vld [tilespmem:s28+$0x9080];
	v7 =	vmul.f32 v28, v21;
	v15 =	vmul.f32 v29, v21;
	v10 =	vadd.f32 v10, v14  }
0x67: {  	v23 =	vld [tilespmem:s28+$0x9100];
	v9 =	vadd.f32 v16, v9;
	v21 =	vimm.f32 $0.0e+00;
	v14 =	vimm.f32 $0.0e+00  }
0x68: {  	s29 =	simm.s32 $0x1;
	s31 =	simm.s32 $0x0;
	s12 =	simm.s32 $0x10;
	v22 =	vld [tilespmem:s28+$0x9180];
	v7 =	vadd.f32 v7, v5;
	v5 =	vadd.f32 v15, v6;
	v6 =	vimm.f32 $0.0e+00  }
0x69: {  	s30 =	sand.u32 $0x7, s29;
	s2 =	sand.u32 $0x70, s12;
	s0 =	simm.s32 $0x20;
	v24 =	vld [tilespmem:s28+$0x9200];
	v15 =	vimm.f32 $0.0e+00;
	v16 =	vmul.f32 v17, v8;
	v17 =	vimm.f32 $0.0e+00  }
.LBB2_11:
0x6a: {  	p1 =	sne.s32 s0, $0xFF0;
	s12 =	sshll.u32 s30, $0x4;
	v26 =	vmul.f32 v26, v8;
	v27 =	vld [tilespmem:s28+$0x9280];
	s26 =	sadd.s32 $0x80, s26  }
0x6b: {  	s31 =	sadd.s32 $0x10, s31;
	s12 =	sadd.s32 s12, s26;
	s30 =	sand.u32 $0x7C00, s26;
	v25 =	vmul.f32 v25, v8;
	v28 =	vld [tilespmem:s28+$0x9300];
	v6 =	vadd.f32 v16, v6  }
0x6c: {  	v16 =	vld [tilespmem:s31+$0x0];
	s28 =	sor.u32 s2, s30;
	s2 =	sor.u32 $0x380, s12;
	v20 =	vadd.f32 v26, v20;
	v23 =	vmul.f32 v23, v8  }
0x6d: {  	v29 =	vld [tilespmem:s2+$0x9000];
	v21 =	vadd.f32 v25, v21;
	v22 =	vmul.f32 v22, v8  }
.Ltmp6:
0x6e: {  	v26 =	vld [tilespmem:s28+$0x9000];
	v19 =	vadd.f32 v23, v19;
	v24 =	vmul.f32 v24, v8;
	(pc) =	sbr.rel @p1 .LBB2_11-.Ltmp6, $4  }
0x6f: {  	v25 =	vld [tilespmem:s28+$0x9080];
	v18 =	vadd.f32 v22, v18;
	v27 =	vmul.f32 v27, v8  }
0x70: {  	v23 =	vld [tilespmem:s28+$0x9100];
	v17 =	vadd.f32 v24, v17;
	v28 =	vmul.f32 v28, v8  }
0x71: {  	s29 =	sadd.s32 $0x1, s29;
	v22 =	vld [tilespmem:s28+$0x9180];
	v15 =	vadd.f32 v27, v15;
	v8 =	vmov v16  }
0x72: {  	s30 =	sand.u32 $0x7, s29;
	s2 =	sand.u32 $0x70, s0;
	s0 =	sadd.s32 $0x10, s0;
	v24 =	vld [tilespmem:s28+$0x9200];
	v16 =	vmul.f32 v29, v8;
	v14 =	vadd.f32 v28, v14  }
0x73: {  	s0 =	sadd.s32 $0x80, s26  }
0x74: {  	s29 =	sadd.s32 $0x10, s31;
	s12 =	sand.u32 $0x7C00, s0  }
0x75: {  	v27 =	vld [tilespmem:s29+$0x0];
	s2 =	sor.u32 s2, s12  }
0x76: {  	v28 =	vld [tilespmem:s2+$0x9000];
	_ =	sdelay $0x1  }
0x77: {  	v29 =	vld [tilespmem:s2+$0x9080]  }
0x78: {  	v26 =	vmul.f32 v26, v8  }
0x79: {  	v30 =	vld [tilespmem:s2+$0x9100]  }
0x7a: {  	v25 =	vmul.f32 v25, v8;
	v20 =	vadd.f32 v26, v20;
	v55 =	vmul.f32 v28, v27  }
0x7b: {  	v23 =	vmul.f32 v23, v8;
	v56 =	vld [tilespmem:s2+$0x9180]  }
0x7c: {  	v57 =	vld [tilespmem:s28+$0x9280];
	v21 =	vadd.f32 v25, v21;
	v58 =	vmul.f32 v29, v27;
	v20 =	vadd.f32 v55, v20  }
0x7d: {  	(xrf2) =	vadd.scan.msk.f32 $0xffff, v13;
	v59 =	vld [tilespmem:s2+$0x9200];
	v22 =	vmul.f32 v22, v8  }
0x7e: {  	v60 =	vld [tilespmem:s28+$0x9300];
	v19 =	vadd.f32 v23, v19;
	v61 =	vmul.f32 v30, v27;
	v21 =	vadd.f32 v58, v21;
	(xrf2) =	vadd.scan.msk.f32 $0xffff, v20  }
0x7f: {  	v63 =	vld [tilespmem:s2+$0x9280];
	v62 =	vmul.f32 v24, v8;
	(xrf2) =	vadd.scan.msk.f32 $0xffff, v12  }
0x80: {  	s30 =	sshll.u32 s30, $0x4;
	v29 =	vadd.f32 v22, v18;
	v30 =	vmul.f32 v56, v27;
	v19 =	vadd.f32 v61, v19;
	(xrf2) =	vadd.scan.msk.f32 $0xffff, v21  }
0x81: {  	s0 =	sadd.s32 s30, s0;
	v32 =	vld [tilespmem:s2+$0x9300];
	v31 =	vmul.f32 v57, v8;
	(xrf2) =	vadd.scan.msk.f32 $0xffff, v11  }
0x82: {  	s0 =	sor.u32 $0x380, s0;
	v33 =	vadd.f32 v62, v17;
	v13 =	vmul.f32 v59, v27;
	v12 =	vadd.f32 v30, v29;
	(xrf2) =	vadd.scan.msk.f32 $0xffff, v19  }
0x83: {  	v37 =	vld [tilespmem:s0+$0x9000];
	v34 =	vmul.f32 v60, v8;
	(xrf2) =	vadd.scan.msk.f32 $0xffff, v10  }
0x84: {  	v35 =	vadd.f32 v31, v15;
	v36 =	vmul.f32 v63, v27;
	v11 =	vadd.f32 v13, v33;
	(xrf2) =	vadd.scan.msk.f32 $0xffff, v12  }
0x85: {  	(xrf2) =	vadd.scan.msk.f32 $0xffff, v9  }
0x86: {  	v8 =	vadd.f32 v34, v14;
	v38 =	vmul.f32 v32, v27;
	v10 =	vadd.f32 v36, v35;
	(xrf2) =	vadd.scan.msk.f32 $0xffff, v11  }
0x87: {  	v39, _, _ =	vpop (xrf2);
	(xrf2) =	vadd.scan.msk.f32 $0xffff, v7  }
0x88: {  	v44 =	vmul.f32 v37, v27;
	v40 =	vadd.f32 v38, v8;
	v41, _, _ =	vpop (xrf2);
	(xrf2) =	vadd.scan.msk.f32 $0xffff, v10  }
0x89: {  	v42 =	vbroadcast v39, $0xF;
	v8 =	vbroadcast v41, $0xF;
	v43, _, _ =	vpop (xrf2);
	(xrf2) =	vadd.scan.msk.f32 $0xffff, v5;
	v5 =	vadd.f32 v16, v6  }
0x8a: {  	v10 =	vbroadcast v43, $0xF;
	v45, _, _ =	vpop (xrf2);
	(xrf2) =	vadd.scan.msk.f32 $0xffff, v40  }
0x8b: {  	v46 =	vsel vm0, v42, v8;
	v47 =	vbroadcast v45, $0xF;
	v48, _, _ =	vpop (xrf2);
	(xrf2) =	vadd.scan.msk.f32 $0xffff, v4;
	v5 =	vadd.f32 v44, v5  }
0x8c: {  	v4, _, _ =	vpop (xrf2);
	v49 =	vsel vm1, v46, v10;
	v50 =	vbroadcast v48, $0xF  }
0x8d: {  	v51, _, _ =	vpop (xrf2);
	v6 =	vsel vm2, v49, v47;
	v4 =	vbroadcast v4, $0xF  }
0x8e: {  	v6 =	vsel vm3, v6, v50;
	v52 =	vbroadcast v51, $0xF;
	v53, _, _ =	vpop (xrf2)  }
0x8f: {  	(xrf2) =	vadd.scan.msk.f32 $0xffff, v5;
	v5, _, _ =	vpop (xrf2);
	v4 =	vsel vm4, v6, v4;
	v54 =	vbroadcast v53, $0xF  }
0x90: {  	v55, _, _ =	vpop (xrf2);
	v4 =	vsel vm5, v4, v52;
	v5 =	vbroadcast v5, $0xF  }
0x91: {  	v56, _, _ =	vpop (xrf2);
	v4 =	vsel vm6, v4, v54;
	v57 =	vbroadcast v55, $0xF  }
0x92: {  	v58, _, _ =	vpop (xrf2);
	v4 =	vsel vm7, v4, v5;
	v5 =	vbroadcast v56, $0xF  }
0x93: {  	v59, _, _ =	vpop (xrf2);
	v4 =	vsel vm8, v4, v57;
	v60 =	vbroadcast v58, $0xF  }
0x94: {  	v61, _, _ =	vpop (xrf2);
	v4 =	vsel vm9, v4, v5;
	v5 =	vbroadcast v59, $0xF  }
0x95: {  	s0 =	sadd.s32 @!p0 s25, s10;
	v62, _, _ =	vpop (xrf2);
	v4 =	vsel vm10, v4, v60  }
0x96: {  	s31 =	sshll.u32 s24, $0x4;
	s24 =	sadd.s32 $0x1, s24;
	s0 =	sshrl.u32 @!p0 s0, $0x3;
	v4 =	vsel vm11, v4, v5;
	v5 =	vbroadcast v62, $0xF  }
0x97: {  	s12 =	simm.s32 @!p0 $0x9000;
	s2 =	simm.s32 @!p0 $0x0;
	s0 =	sadd.s32 @!p0 s1, s0;
	v63 =	vbroadcast v61, $0xF  }
0x98: {  	[tilespmem:s12], [sflag:$0x2] =	stream.linear.gather @!p0 [hbm4b:s0+s2], $0x8000, $0x38;
	[tilespmem:$0x11200] =	vst v63  }
0x99: {  	p0 =	sne.s32 s24, $0x10;
	v4 =	vsel vm12, v4, v63  }
.Ltmp7:
0x9a: {  	v4 =	vsel vm13, v4, v5;
	v5, _, _ =	vpop (xrf2);
	(pc) =	sbr.rel @p0 .LBB2_8-.Ltmp7, $4  }
0x9b: {  	v4 =	vsel vm14, v4, v5  }
0x9c: {  	v4 =	vmul.f32 v4, v3  }
0x9d: {  	s0 =	sand.u32 $0x3FFFFFF0, s31  }
0x9e: {  	[tilespmem:s0+$0x11000] =	vst v4  }
0x9f: {  	v3 =	vld [tilespmem:$0x11000]  }
0xa0: {  	v4 =	vld [tilespmem:$0x11010];
	_ =	sdelay $0x1  }
0xa1: {  	v5 =	vld [tilespmem:$0x11020];
	_ =	sdelay $0x1  }
0xa2: {  	v6 =	vld [tilespmem:$0x11030]  }
0xa3: {  	v7 =	vmul.f32 v3, v3;
	v4 =	vmul.f32 v4, v4  }
0xa4: {  	v8 =	vld [tilespmem:$0x11040]  }
0xa5: {  	v5 =	vmul.f32 v5, v5;
	v4 =	vadd.f32 v4, v7  }
0xa6: {  	v18 =	vld [tilespmem:$0x11050]  }
0xa7: {  	v19 =	vmul.f32 v6, v6;
	v4 =	vadd.f32 v5, v4  }
0xa8: {  	v20 =	vld [tilespmem:$0x11060]  }
0xa9: {  	v21 =	vmul.f32 v8, v8;
	v4 =	vadd.f32 v19, v4  }
0xaa: {  	v22 =	vld [tilespmem:$0x11070]  }
0xab: {  	v23 =	vmul.f32 v18, v18;
	v4 =	vadd.f32 v21, v4  }
0xac: {  	v24 =	vld [tilespmem:$0x11080]  }
0xad: {  	v25 =	vmul.f32 v20, v20;
	v4 =	vadd.f32 v23, v4  }
0xae: {  	v26 =	vld [tilespmem:$0x11090]  }
0xaf: {  	v27 =	vmul.f32 v22, v22;
	v4 =	vadd.f32 v25, v4  }
0xb0: {  	v28 =	vld [tilespmem:$0x110A0]  }
0xb1: {  	v29 =	vmul.f32 v24, v24;
	v4 =	vadd.f32 v27, v4  }
0xb2: {  	v30 =	vld [tilespmem:$0x110B0]  }
0xb3: {  	v31 =	vmul.f32 v26, v26;
	v4 =	vadd.f32 v29, v4  }
0xb4: {  	v32 =	vld [tilespmem:$0x110C0]  }
0xb5: {  	v33 =	vmul.f32 v28, v28;
	v4 =	vadd.f32 v31, v4  }
0xb6: {  	v34 =	vld [tilespmem:$0x110D0]  }
0xb7: {  	v35 =	vmul.f32 v30, v30;
	v4 =	vadd.f32 v33, v4  }
0xb8: {  	v36 =	vld [tilespmem:$0x110E0]  }
0xb9: {  	v37 =	vmul.f32 v32, v32;
	v4 =	vadd.f32 v35, v4  }
0xba: {  	v38 =	vld [tilespmem:$0x110F0]  }
0xbb: {  	v39 =	vmul.f32 v34, v34;
	v4 =	vadd.f32 v37, v4;
	_ =	sdelay $0x1  }
0xbc: {  	v40 =	vmul.f32 v36, v36;
	v4 =	vadd.f32 v39, v4;
	_ =	sdelay $0x1  }
0xbd: {  	v41 =	vmul.f32 v38, v38;
	v4 =	vadd.f32 v40, v4;
	_ =	sdelay $0x1  }
0xbe: {  	v4 =	vadd.f32 v41, v4;
	_ =	sdelay $0x1  }
0xbf: {  	(xrf2) =	vadd.scan.msk.f32 $0xffff, v4;
	_ =	sdelay $0x9  }
0xc0: {  	v4, _, _ =	vpop (xrf2)  }
0xc1: {  	v4 =	vbroadcast v4, $0xF;
	_ =	sdelay $0x1  }
0xc2: {  	v42 =	vadd.f32 $9.999999960e-13, v4;
	_ =	sdelay $0x1  }
0xc3: {  	v43 =	vshrl.u32 v42, $0x1;
	v5 =	vmul.f32 $5.000000000e-01, v42  }
0xc4: {  	v7 =	vsub.s32 $0x5F3759DF, v43  }
0xc5: {  	v44 =	vmul.f32 v7, v5;
	_ =	sdelay $0x1  }
0xc6: {  	v8 =	vmul.f32 v7, v44;
	_ =	sdelay $0x1  }
0xc7: {  	v8 =	vsub.f32 $1.500000000e+00, v8;
	_ =	sdelay $0x1  }
0xc8: {  	v7 =	vmul.f32 v7, v8;
	_ =	sdelay $0x1  }
0xc9: {  	v8 =	vmul.f32 v7, v5;
	_ =	sdelay $0x1  }
0xca: {  	v8 =	vmul.f32 v8, v7;
	_ =	sdelay $0x1  }
0xcb: {  	v8 =	vsub.f32 $1.500000000e+00, v8;
	_ =	sdelay $0x1  }
0xcc: {  	v7 =	vmul.f32 v8, v7;
	_ =	sdelay $0x1  }
0xcd: {  	v8 =	vmul.f32 v7, v5;
	_ =	sdelay $0x1  }
0xce: {  	v8 =	vmul.f32 v8, v7;
	_ =	sdelay $0x1  }
0xcf: {  	v8 =	vsub.f32 $1.500000000e+00, v8;
	_ =	sdelay $0x1  }
0xd0: {  	v7 =	vmul.f32 v8, v7;
	_ =	sdelay $0x1  }
0xd1: {  	v5 =	vmul.f32 v7, v5;
	_ =	sdelay $0x1  }
0xd2: {  	v5 =	vmul.f32 v5, v7;
	_ =	sdelay $0x1  }
0xd3: {  	v5 =	vsub.f32 $1.500000000e+00, v5;
	_ =	sdelay $0x1  }
0xd4: {  	v5 =	vmul.f32 v5, v7;
	_ =	sdelay $0x1  }
0xd5: {  	v4 =	vmul.f32 v5, v4;
	_ =	sdelay $0x1  }
0xd6: {  	v4 =	vmul.f32 v4, v5;
	_ =	sdelay $0x1  }
0xd7: {  	v4 =	vadd.f32 $9.999999960e-13, v4;
	_ =	sdelay $0x1  }
0xd8: {  	v45 =	vshrl.u32 v4, $0x1;
	v4 =	vmul.f32 $5.000000000e-01, v4  }
0xd9: {  	v7 =	vsub.s32 $0x5F3759DF, v45  }
0xda: {  	v46 =	vmul.f32 v7, v4;
	_ =	sdelay $0x1  }
0xdb: {  	v8 =	vmul.f32 v7, v46;
	_ =	sdelay $0x1  }
0xdc: {  	v8 =	vsub.f32 $1.500000000e+00, v8;
	_ =	sdelay $0x1  }
0xdd: {  	v7 =	vmul.f32 v7, v8;
	_ =	sdelay $0x1  }
0xde: {  	v8 =	vmul.f32 v7, v4;
	_ =	sdelay $0x1  }
0xdf: {  	v8 =	vmul.f32 v8, v7;
	_ =	sdelay $0x1  }
0xe0: {  	v8 =	vsub.f32 $1.500000000e+00, v8;
	_ =	sdelay $0x1  }
0xe1: {  	v7 =	vmul.f32 v8, v7;
	_ =	sdelay $0x1  }
0xe2: {  	v8 =	vmul.f32 v7, v4;
	_ =	sdelay $0x1  }
0xe3: {  	v8 =	vmul.f32 v8, v7;
	_ =	sdelay $0x1  }
0xe4: {  	v8 =	vsub.f32 $1.500000000e+00, v8;
	_ =	sdelay $0x1  }
0xe5: {  	v7 =	vmul.f32 v8, v7;
	_ =	sdelay $0x1  }
0xe6: {  	v4 =	vmul.f32 v7, v4;
	_ =	sdelay $0x1  }
0xe7: {  	v4 =	vmul.f32 v4, v7;
	_ =	sdelay $0x1  }
0xe8: {  	v4 =	vsub.f32 $1.500000000e+00, v4;
	_ =	sdelay $0x1  }
0xe9: {  	v4 =	vmul.f32 v4, v7;
	_ =	sdelay $0x1  }
0xea: {  	v47 =	vld [tilespmem:$0x11010];
	v4 =	vmul.f32 v4, v5  }
0xeb: {  	v48 =	vld [tilespmem:$0x11020]  }
0xec: {  	v49 =	vld [tilespmem:$0x11030];
	v2 =	vmul.f32 v4, v2  }
0xed: {  	v50 =	vld [tilespmem:$0x11040]  }
0xee: {  	v9 =	vld [tilespmem:$0x11050];
	v3 =	vmul.f32 v3, v2  }
0xef: {  	v10 =	vld [tilespmem:$0x11060];
	v5 =	vmul.f32 v47, v2  }
0xf0: {  	v51 =	vld [tilespmem:$0x11070];
	[tilespmem:$0x11000] =	vst v3;
	v3 =	vmul.f32 v48, v2  }
0xf1: {  	v52 =	vld [tilespmem:$0x11080];
	v4 =	vmul.f32 v49, v2;
	[tilespmem:$0x11010] =	vst v5  }
0xf2: {  	v53 =	vld [tilespmem:$0x11090];
	[tilespmem:$0x11020] =	vst v3;
	v3 =	vmul.f32 v50, v2  }
0xf3: {  	v55 =	vld [tilespmem:$0x110A0];
	v54 =	vmul.f32 v9, v2;
	[tilespmem:$0x11030] =	vst v4  }
0xf4: {  	v56 =	vld [tilespmem:$0x110B0];
	[tilespmem:$0x11040] =	vst v3;
	v3 =	vmul.f32 v10, v2  }
0xf5: {  	v58 =	vld [tilespmem:$0x110C0];
	v57 =	vmul.f32 v51, v2;
	[tilespmem:$0x11050] =	vst v54  }
0xf6: {  	v59 =	vld [tilespmem:$0x110D0];
	[tilespmem:$0x11060] =	vst v3;
	v3 =	vmul.f32 v52, v2  }
0xf7: {  	v61 =	vld [tilespmem:$0x110E0];
	v60 =	vmul.f32 v53, v2;
	[tilespmem:$0x11070] =	vst v57  }
0xf8: {  	[tilespmem:$0x11080] =	vst v3;
	v3 =	vmul.f32 v55, v2  }
0xf9: {  	v62 =	vmul.f32 v56, v2;
	[tilespmem:$0x11090] =	vst v60  }
0xfa: {  	[tilespmem:$0x110A0] =	vst v3;
	v3 =	vmul.f32 v58, v2  }
0xfb: {  	v63 =	vmul.f32 v59, v2;
	[tilespmem:$0x110B0] =	vst v62  }
0xfc: {  	[tilespmem:$0x110C0] =	vst v3;
	v3 =	vmul.f32 v61, v2  }
0xfd: {  	[tilespmem:$0x110D0] =	vst v63;
	v2 =	vmul.f32 v38, v2  }
0xfe: {  	[tilespmem:$0x110E0] =	vst v3  }
0xff: {  	s23 =	simm.s32 $0x0;
	s24 =	simm.s32 $0x0;
	[tilespmem:$0x110F0] =	vst v2  }
0x100: {  	[tilespmem:s16], [sflag:$0x1] =	stream.linear.gather [hbm4b:s8+s23], $0x8000, $0x38;
	[tilespmem:$0x11200] =	vst v63  }
.LBB2_14:
0x101: {  	s0 =	sshll.u32 s24, $0x4  }
0x102: {  	s28 =	sor.u32 $0x8, s0  }
0x103: {  	s2 =	sshll.u32 s28, $0xC  }
0x104: {  	s2 =	sadd.s32 s7, s2  }
0x105: {  	s25 =	sshrl.u32 s2, $0x3  }
0x106: {  	s2 =	sadd.s32 s1, s25  }
0x107: {  	[tilespmem:s17], [sflag:$0x2] =	stream.linear.gather [hbm4b:s2+s23], $0x8000, $0x38;
	[tilespmem:$0x11200] =	vst v63  }
0x108: {  	_ =	swait.ge [sflag:s18], $0x8000  }
0x109: {  	s31 =	sand.u32 $0x70, s23;
	[sflag:s18] =	ssyncset.done $0x0  }
0x10a: {  	s12 =	sand.u32 $0x7C00, s23;
	s0 =	sand.u32 $0x3FFFFFF0, s0;
	[sflag:s18] =	ssyncadd.s32 $0xFFFF8000  }
0x10b: {  	s26 =	sor.u32 s31, s12;
	v9 =	vld [tilespmem:s0+$0x11000]  }
0x10c: {  	v3 =	vld [tilespmem:s26+$0x1300]  }
0x10d: {  	v4 =	vld [tilespmem:s26+$0x1180]  }
0x10e: {  	v5 =	vld [tilespmem:s26+$0x1280]  }
0x10f: {  	v6 =	vld [tilespmem:s26+$0x1100]  }
0x110: {  	v7 =	vld [tilespmem:s26+$0x1080]  }
0x111: {  	v8 =	vld [tilespmem:s26+$0x1200];
	v2 =	vbroadcast v9, $0x6  }
0x112: {  	v11 =	vld [tilespmem:s26+$0x1000];
	v10 =	vmul.f32 v3, v1;
	v3 =	vbroadcast v9, $0x3  }
0x113: {  	v12 =	vmul.f32 v4, v1;
	v4 =	vbroadcast v9, $0x5  }
0x114: {  	v13 =	vmul.f32 v5, v1;
	v14 =	vmul.f32 v6, v1;
	v10 =	vadd.f32 v10, v2  }
0x115: {  	v6 =	vbroadcast v9, $0x1;
	v15 =	vmul.f32 v7, v1;
	v12 =	vadd.f32 v12, v3  }
0x116: {  	v5 =	vbroadcast v9, $0x2;
	v62 =	vmul.f32 v8, v1;
	v13 =	vadd.f32 v13, v4;
	[tilespmem:s26+$0x1300] =	vst v10  }
0x117: {  	v8 =	vbroadcast v9, $0x0;
	v11 =	vmul.f32 v11, v1;
	v63 =	vadd.f32 v15, v6;
	[tilespmem:s26+$0x1180] =	vst v12  }
0x118: {  	v7 =	vbroadcast v9, $0x4;
	v10 =	vadd.f32 v14, v5;
	[tilespmem:s26+$0x1280] =	vst v13  }
0x119: {  	s31 =	sand.u32 $0x7, s23;
	v11 =	vadd.f32 v11, v8;
	[tilespmem:s26+$0x1080] =	vst v63  }
0x11a: {  	s2 =	sshll.u32 s31, $0x4;
	[tilespmem:s26+$0x1100] =	vst v10;
	v10 =	vadd.f32 v62, v7  }
0x11b: {  	s2 =	sadd.s32 $0x0, s2;
	[tilespmem:s26+$0x1000] =	vst v11  }
0x11c: {  	s0 =	sor.u32 $0x380, s2;
	[tilespmem:s26+$0x1200] =	vst v10  }
0x11d: {  	s29 =	simm.s32 $0x0;
	s30 =	simm.s32 $0x0;
	v9 =	vbroadcast v9, $0x7;
	s26 =	simm.s32 $0x10;
	v10 =	vld [tilespmem:s0+$0x1000]  }
.LBB2_15:
0x11e: {  	_ =	sdelay $0x1  }
0x11f: {  	p0 =	sne.s32 s26, $0xFF0;
	s29 =	sadd.s32 $0x80, s29;
	s30 =	sadd.s32 $0x1, s30  }
0x120: {  	s2 =	smov.u32 s26;
	s26 =	sadd.s32 $0x10, s26  }
0x121: {  	v10 =	vmul.f32 v10, v1;
	_ =	sdelay $0x1  }
0x122: {  	v10 =	vadd.f32 v10, v9;
	_ =	sdelay $0x1  }
0x123: {  	s2 =	sand.u32 $0x70, s2;
	s12 =	sand.u32 $0x7C00, s29;
	[tilespmem:s0+$0x1000] =	vst v10  }
0x124: {  	s0 =	sor.u32 s2, s12  }
0x125: {  	v10 =	vld [tilespmem:s0+$0x1300]  }
0x126: {  	v11 =	vld [tilespmem:s0+$0x1180]  }
0x127: {  	v12 =	vld [tilespmem:s0+$0x1280]  }
0x128: {  	v13 =	vld [tilespmem:s0+$0x1100]  }
0x129: {  	v14 =	vld [tilespmem:s0+$0x1080]  }
0x12a: {  	v15 =	vld [tilespmem:s0+$0x1200];
	v10 =	vmul.f32 v10, v1  }
0x12b: {  	v16 =	vld [tilespmem:s0+$0x1000];
	v11 =	vmul.f32 v11, v1  }
0x12c: {  	v12 =	vmul.f32 v12, v1;
	v10 =	vadd.f32 v10, v2  }
0x12d: {  	v13 =	vmul.f32 v13, v1;
	v11 =	vadd.f32 v11, v3  }
0x12e: {  	v14 =	vmul.f32 v14, v1;
	v12 =	vadd.f32 v12, v4;
	[tilespmem:s0+$0x1300] =	vst v10  }
0x12f: {  	v10 =	vadd.f32 v13, v5;
	[tilespmem:s0+$0x1180] =	vst v11;
	v11 =	vmul.f32 v15, v1  }
0x130: {  	v13 =	vmul.f32 v16, v1;
	v14 =	vadd.f32 v14, v6;
	[tilespmem:s0+$0x1280] =	vst v12  }
.Ltmp8:
0x131: {  	s2 =	sand.u32 $0x7, s30;
	[tilespmem:s0+$0x1100] =	vst v10;
	v10 =	vadd.f32 v11, v7;
	(pc) =	sbr.rel @p0 .LBB2_15-.Ltmp8, $4  }
0x132: {  	s2 =	sshll.u32 s2, $0x4;
	v11 =	vadd.f32 v13, v8;
	[tilespmem:s0+$0x1080] =	vst v14  }
0x133: {  	s2 =	sadd.s32 s2, s29;
	[tilespmem:s0+$0x1200] =	vst v10  }
0x134: {  	[tilespmem:s0+$0x1000] =	vst v11;
	s0 =	sor.u32 $0x380, s2  }
0x135: {  	v10 =	vld [tilespmem:s0+$0x1000]  }
0x136: {  	_ =	sdelay $0x3  }
0x137: {  	v2 =	vmul.f32 v10, v1  }
0x138: {  	s26 =	sshll.u32 s24, $0x10  }
0x139: {  	s2 =	sor.u32 s7, s26;
	v2 =	vadd.f32 v2, v9  }
0x13a: {  	s2 =	sshrl.u32 s2, $0x3  }
0x13b: {  	s29 =	simm.s32 $0x0;
	s31 =	sadd.s32 s5, s2;
	[tilespmem:s0+$0x1000] =	vst v2  }
0x13c: {  	[hbm4b:s31+s29] =	stream.linear.scatter [tilespmem:s16], [sflag:$0x3], $0x8000, $0x38;
	[tilespmem:$0x11200] =	vst v63  }
0x13d: {  	_ =	swait.ge [sflag:s19], $0x8000  }
0x13e: {  	[sflag:s19] =	ssyncset.done $0x0  }
0x13f: {  	s12 =	sand.u32 $0x7C00, s29;
	s2 =	sand.u32 $0x70, s29;
	[sflag:s19] =	ssyncadd.s32 $0xFFFF8000  }
0x140: {  	s0 =	sor.u32 s2, s12;
	v9 =	vld [tilespmem:s28+$0x11000]  }
0x141: {  	v3 =	vld [tilespmem:s0+$0x9300]  }
0x142: {  	v4 =	vld [tilespmem:s0+$0x9180]  }
0x143: {  	v5 =	vld [tilespmem:s0+$0x9280]  }
0x144: {  	v6 =	vld [tilespmem:s0+$0x9100]  }
0x145: {  	v7 =	vld [tilespmem:s0+$0x9080]  }
0x146: {  	v8 =	vld [tilespmem:s0+$0x9200];
	v2 =	vbroadcast v9, $0x6  }
0x147: {  	v11 =	vld [tilespmem:s0+$0x9000];
	v10 =	vmul.f32 v3, v1;
	v3 =	vbroadcast v9, $0x3  }
0x148: {  	v12 =	vmul.f32 v4, v1;
	v4 =	vbroadcast v9, $0x5  }
0x149: {  	v13 =	vmul.f32 v5, v1;
	v14 =	vmul.f32 v6, v1;
	v10 =	vadd.f32 v10, v2  }
0x14a: {  	v6 =	vbroadcast v9, $0x1;
	v15 =	vmul.f32 v7, v1;
	v12 =	vadd.f32 v12, v3  }
0x14b: {  	v5 =	vbroadcast v9, $0x2;
	v62 =	vmul.f32 v8, v1;
	v13 =	vadd.f32 v13, v4;
	[tilespmem:s0+$0x9300] =	vst v10  }
0x14c: {  	v8 =	vbroadcast v9, $0x0;
	v11 =	vmul.f32 v11, v1;
	v63 =	vadd.f32 v15, v6;
	[tilespmem:s0+$0x9180] =	vst v12  }
0x14d: {  	v7 =	vbroadcast v9, $0x4;
	v10 =	vadd.f32 v14, v5;
	[tilespmem:s0+$0x9280] =	vst v13  }
0x14e: {  	s31 =	sand.u32 $0x7, s29;
	v11 =	vadd.f32 v11, v8;
	[tilespmem:s0+$0x9080] =	vst v63  }
0x14f: {  	s2 =	sshll.u32 s31, $0x4;
	[tilespmem:s0+$0x9100] =	vst v10;
	v10 =	vadd.f32 v62, v7  }
0x150: {  	s2 =	sadd.s32 $0x0, s2;
	[tilespmem:s0+$0x9000] =	vst v11  }
0x151: {  	[tilespmem:s0+$0x9200] =	vst v10;
	s0 =	sor.u32 $0x380, s2  }
0x152: {  	s30 =	simm.s32 $0x0;
	s28 =	simm.s32 $0x10;
	v9 =	vbroadcast v9, $0x7;
	v10 =	vld [tilespmem:s0+$0x9000]  }
.LBB2_17:
0x153: {  	_ =	sdelay $0x1  }
0x154: {  	p0 =	sne.s32 s28, $0xFF0;
	s29 =	sadd.s32 $0x80, s29;
	s30 =	sadd.s32 $0x1, s30  }
0x155: {  	s2 =	smov.u32 s28;
	s28 =	sadd.s32 $0x10, s28  }
0x156: {  	v10 =	vmul.f32 v10, v1;
	_ =	sdelay $0x1  }
0x157: {  	v10 =	vadd.f32 v10, v9;
	_ =	sdelay $0x1  }
0x158: {  	s2 =	sand.u32 $0x70, s2;
	s12 =	sand.u32 $0x7C00, s29;
	[tilespmem:s0+$0x9000] =	vst v10  }
0x159: {  	s0 =	sor.u32 s2, s12  }
0x15a: {  	v10 =	vld [tilespmem:s0+$0x9300]  }
0x15b: {  	v11 =	vld [tilespmem:s0+$0x9180]  }
0x15c: {  	v12 =	vld [tilespmem:s0+$0x9280]  }
0x15d: {  	v13 =	vld [tilespmem:s0+$0x9100]  }
0x15e: {  	v14 =	vld [tilespmem:s0+$0x9080]  }
0x15f: {  	v15 =	vld [tilespmem:s0+$0x9200];
	v10 =	vmul.f32 v10, v1  }
0x160: {  	v16 =	vld [tilespmem:s0+$0x9000];
	v11 =	vmul.f32 v11, v1  }
0x161: {  	v12 =	vmul.f32 v12, v1;
	v10 =	vadd.f32 v10, v2  }
0x162: {  	v13 =	vmul.f32 v13, v1;
	v11 =	vadd.f32 v11, v3  }
0x163: {  	v14 =	vmul.f32 v14, v1;
	v12 =	vadd.f32 v12, v4;
	[tilespmem:s0+$0x9300] =	vst v10  }
0x164: {  	v10 =	vadd.f32 v13, v5;
	[tilespmem:s0+$0x9180] =	vst v11;
	v11 =	vmul.f32 v15, v1  }
0x165: {  	v13 =	vmul.f32 v16, v1;
	v14 =	vadd.f32 v14, v6;
	[tilespmem:s0+$0x9280] =	vst v12  }
.Ltmp9:
0x166: {  	s2 =	sand.u32 $0x7, s30;
	[tilespmem:s0+$0x9100] =	vst v10;
	v10 =	vadd.f32 v11, v7;
	(pc) =	sbr.rel @p0 .LBB2_17-.Ltmp9, $4  }
0x167: {  	s2 =	sshll.u32 s2, $0x4;
	v11 =	vadd.f32 v13, v8;
	[tilespmem:s0+$0x9080] =	vst v14  }
0x168: {  	s2 =	sadd.s32 s2, s29;
	[tilespmem:s0+$0x9200] =	vst v10  }
0x169: {  	[tilespmem:s0+$0x9000] =	vst v11;
	s0 =	sor.u32 $0x380, s2  }
0x16a: {  	v10 =	vld [tilespmem:s0+$0x9000]  }
0x16b: {  	_ =	sdelay $0x3  }
0x16c: {  	v2 =	vmul.f32 v10, v1;
	_ =	sdelay $0x1  }
0x16d: {  	v2 =	vadd.f32 v2, v9  }
0x16e: {  	p0 =	seq.s32 s24, $0xF  }
.Ltmp10:
0x16f: {  	s31 =	sadd.s32 s5, s25;
	[tilespmem:s0+$0x9000] =	vst v2;
	(pc) =	sbr.rel @p0 .LBB2_20-.Ltmp10, $4  }
0x170: {  	[hbm4b:s31+s3] =	stream.linear.scatter [tilespmem:s17], [sflag:$0x4], $0x8000, $0x38;
	[tilespmem:$0x11200] =	vst v63  }
0x171: {  	_ =	swait.ge [sflag:s20], $0x8000  }
0x172: {  	[sflag:s20] =	ssyncset.done $0x0  }
0x173: {  	[sflag:s20] =	ssyncadd.s32 $0xFFFF8000  }
0x174: {  	s0 =	sadd.s32 s26, s9  }
0x175: {  	s0 =	sshrl.u32 s0, $0x3  }
0x176: {  	s0 =	sadd.s32 s1, s0  }
0x177: {  	[tilespmem:s16], [sflag:$0x1] =	stream.linear.gather [hbm4b:s0+s3], $0x8000, $0x38;
	[tilespmem:$0x11200] =	vst v63  }
.Ltmp11:
0x178: {  	_ = 	snop;
	(pc) =	sbr.rel .LBB2_14-.Ltmp11, $4  }
0x179: {  	s31 =	sadd.s32 s26, s10;
	_ =	swait.ge [sflag:s21], $0x8000  }
0x17a: {  	s0 =	sshrl.u32 s31, $0x3;
	[sflag:s21] =	ssyncset.done $0x0  }
0x17b: {  	s24 =	sadd.s32 $0x1, s24;
	s0 =	sadd.s32 s1, s0;
	[sflag:s21] =	ssyncadd.s32 $0xFFFF8000  }
0x17c: {  	[tilespmem:s17], [sflag:$0x2] =	stream.linear.gather [hbm4b:s0+s3], $0x8000, $0x38;
	[tilespmem:$0x11200] =	vst v63  }
.LBB2_21:
0x17d: {  	_ =	sfence.sel $0x180000  }
0x17e: {  	[bflag:$0x0] =	sbarrier.arrive $0xFFFF  }
0x17f: {  	_ =	strace $0x90000047  }
0x180: {  	s0 =	stileid.u32;
	[bflag:$0x2] =	sbarrier.arrive $0xFFFF  }
0x181: {  	p0 =	sne.s32 s0, $0x0;
	s0 =	rddreg [dreg:$0x2]  }
0x182: {  	s0 =	sadd.s32 @!p0 $0x100000, s0  }
0x183: {  	[sflag:s0] =	ssyncadd.tile.s32 @!p0 $0x1;
	_ =	shalt  }
.Lfunc_end2:
_tile_overlayer_lowered:
.L_overlay_start_2:
0x184: {  	(tag) =	ssettag $0x2  }
0x185: {  	s0 =	rddreg [dreg:$0x0];
	s2 =	stileid.u32  }
0x186: {  	s1 =	rddreg [dreg:$0x1];
	p0 =	sne.s32 s2, $0x0  }
0x187: {  	s3 =	rddreg [dreg:$0x2];
	[bflag:$0x3] =	sbarrier.arrive $0xFFFF;
	s2 =	simm.s32 @!p0 $0x1C05  }
0x188: {  	[timem:s3], [sflag:s2] =	dma.local @!p0 [hbm:s0], s1  }
0x189: {  	s0 =	simm.s32 @!p0 $0x5  }
0x18a: {  	_ =	swait.ge @!p0 [sflag:s0], s1  }
0x18b: {  	s1 =	ssub.s32 @!p0 $0x0, s1;
	[sflag:s0] =	ssyncset.done @!p0 $0x0  }
0x18c: {  	[sflag:s0] =	ssyncadd.s32 @!p0 s1  }
0x18d: {  	[bflag:$0x3] =	sbarrier.arrive $0xFFFF  }
0x18e: {  	_ =	shalt  }

</sc_bundles>
